<compile_context>
chip_gen: v7x
topology: tpu7x:2x2x1
jax: 0.10.2.dev20260603
libtpu: 0.0.44.dev20260713+nightly
codegen_flags: <defaults>
</compile_context>

<pallas_src>
import functools

import jax
import jax.numpy as jnp
from jax import lax
from jax.experimental import pallas as pl
from jax.experimental.pallas import tpu as pltpu
from jax.experimental.pallas import tpu_sc as plsc

N_NODES = 10000
RANK = 128

NC = 2
NS = 16
NW = NC * NS

CHUNK = 120
N_PAD = 10240
ROWS_PER_TILE = N_PAD // NS
ZB = 80
REL_PAD = 256


def _sc_accumulate(h, rel_p, srcx, dstx, etx, cpt):
    mesh = plsc.VectorSubcoreMesh(core_axis_name="c", subcore_axis_name="s")

    @functools.partial(
        pl.kernel,
        mesh=mesh,
        out_type=jax.ShapeDtypeStruct((NC * N_PAD, RANK), jnp.float32),
        scratch_types=[
            pltpu.VMEM_SHARED((N_PAD, RANK), jnp.float32),
            pltpu.VMEM_SHARED((REL_PAD, RANK), jnp.float32),
            [pltpu.VMEM((CHUNK,), jnp.int32)] * 2,
            [pltpu.VMEM((CHUNK,), jnp.int32)] * 2,
            [pltpu.VMEM((CHUNK,), jnp.int32)] * 2,
            pltpu.VMEM((2, CHUNK, RANK), jnp.float32),
            pltpu.VMEM((CHUNK, RANK), jnp.float32),
            [pltpu.SemaphoreType.DMA] * 2,
            pltpu.SemaphoreType.DMA,
            [pltpu.SemaphoreType.DMA] * 2,
            pltpu.SemaphoreType.DMA,
        ],
    )
    def body(h_hbm, rel_hbm, srcx_hbm, dstx_hbm, etx_hbm, acc_hbm,
             acc_sh, rel_sh, ci, dx, ei, hrows, rrows, gh, gr, sh, sr):
        c = lax.axis_index("c")
        s = lax.axis_index("s")
        wid = s * NC + c

        def mk_gather_h(b):
            return pltpu.make_async_copy(h_hbm.at[ci[b]], hrows.at[b], gh[b])

        def mk_gather_r(b):
            return pltpu.make_async_copy(rel_sh.at[ei[b]], rrows, gr)

        def start_scat_h(b):
            pltpu.async_copy(hrows.at[b], acc_sh.at[dx[b]], sh[b], add=True)

        def drain_scat_h(b):
            pltpu.make_async_copy(hrows.at[b], acc_sh.at[dx[b]], sh[b]).wait()

        def start_scat_r(b):
            pltpu.async_copy(rrows, acc_sh.at[dx[b]], sr, add=True)

        def drain_scat_r(b):
            pltpu.make_async_copy(rrows, acc_sh.at[dx[b]], sr).wait()

        rpt = REL_PAD // NS
        pltpu.sync_copy(rel_hbm.at[pl.ds(s * rpt, rpt)],
                        hrows.at[0, pl.ds(0, rpt)])
        pltpu.sync_copy(hrows.at[0, pl.ds(0, rpt)],
                        rel_sh.at[pl.ds(s * rpt, rpt)])

        @pl.loop(0, ZB)
        def _zr(i):
            @pl.loop(0, RANK // 16)
            def _zc(k):
                hrows[0, i, pl.ds(k * 16, 16)] = jnp.zeros((16,), jnp.float32)

        row0 = s * ROWS_PER_TILE

        @pl.loop(0, ROWS_PER_TILE // ZB)
        def _zcp(k):
            pltpu.sync_copy(hrows.at[0, pl.ds(0, ZB)],
                            acc_sh.at[pl.ds(row0 + k * ZB, ZB)])

        plsc.subcore_barrier()

        ebase = wid * cpt * CHUNK

        @pl.loop(0, cpt, step=2)
        def _pair(g):
            for b in (0, 1):
                j = g + b
                ob = 1 - b
                base = ebase + j * CHUNK

                @pl.when(j >= 2)
                def _():
                    drain_scat_h(b)

                pltpu.sync_copy(srcx_hbm.at[pl.ds(base, CHUNK)], ci[b])
                pltpu.sync_copy(dstx_hbm.at[pl.ds(base, CHUNK)], dx[b])
                pltpu.sync_copy(etx_hbm.at[pl.ds(base, CHUNK)], ei[b])
                mk_gather_h(b).start()

                @pl.when(j >= 1)
                def _():
                    mk_gather_h(ob).wait()
                    start_scat_h(ob)

                    @pl.when(j >= 2)
                    def _():
                        drain_scat_r(b)

                    mk_gather_r(ob).start()
                    mk_gather_r(ob).wait()
                    start_scat_r(ob)

        mk_gather_h(1).wait()
        start_scat_h(1)
        drain_scat_r(0)
        mk_gather_r(1).start()
        mk_gather_r(1).wait()
        start_scat_r(1)
        drain_scat_h(0)
        drain_scat_h(1)
        drain_scat_r(1)

        plsc.subcore_barrier()

        out_base = c * N_PAD + s * ROWS_PER_TILE

        @pl.loop(0, ROWS_PER_TILE // ZB)
        def _wb(k):
            pltpu.sync_copy(acc_sh.at[pl.ds(row0 + k * ZB, ZB)],
                            hrows.at[0, pl.ds(0, ZB)])
            pltpu.sync_copy(hrows.at[0, pl.ds(0, ZB)],
                            acc_hbm.at[pl.ds(out_base + k * ZB, ZB)])

    return body(h, rel_p, srcx, dstx, etx)


def _fin_body(a0_ref, a1_ref, norm_ref, out_ref):
    out_ref[...] = (a0_ref[...] + a1_ref[...]) * norm_ref[...]


def kernel(h, norm, edge_index, edge_type, rel_weight):
    rel = rel_weight[:, :RANK]
    src = edge_index[0].astype(jnp.int32)
    dst = edge_index[1].astype(jnp.int32)
    et = edge_type.astype(jnp.int32)
    n_edges = src.shape[0]

    n_rel = rel.shape[0]
    rel_p = jnp.concatenate(
        [rel, jnp.zeros((REL_PAD - n_rel, RANK), jnp.float32)], axis=0)

    cpt = -(-n_edges // (NW * CHUNK))
    cpt += cpt % 2
    pad = NW * cpt * CHUNK - n_edges
    if pad:
        fill = jnp.arange(pad, dtype=jnp.int32)
        src = jnp.concatenate([src, fill % N_NODES])
        dst = jnp.concatenate([dst, N_NODES + fill % (N_PAD - N_NODES)])
        et = jnp.concatenate([et, n_rel + fill % (REL_PAD - n_rel)])

    acc = _sc_accumulate(h, rel_p, src, dst, et, cpt)

    rows_blk = 1000
    out = pl.pallas_call(
        _fin_body,
        grid=(N_NODES // rows_blk,),
        in_specs=[
            pl.BlockSpec((rows_blk, RANK), lambda i: (i, 0)),
            pl.BlockSpec((rows_blk, RANK), lambda i: (i, 0)),
            pl.BlockSpec((rows_blk, 1), lambda i: (i, 0)),
        ],
        out_specs=pl.BlockSpec((rows_blk, RANK), lambda i: (i, 0)),
        out_shape=jax.ShapeDtypeStruct((N_NODES, RANK), jnp.float32),
    )(acc[:N_NODES], acc[N_PAD:N_PAD + N_NODES], norm)
    return out

# --- scband reference (transcript-rebuilt; emitter-appended) ---
"""Pipeline reference for scband-rgcnlayer-1434519077565 (READ-ONLY COPY).

The authoritative reference and input builder live on the scoring server;
editing this copy changes nothing except your own understanding.
"""

import jax, jax.numpy as jnp
import numpy as np

N_NODES = 10000
N_EDGES = 640000
RANK = 128
N_RELATIONS = 200

def setup_inputs(seed: int = 0) -> dict:
    key = jax.random.key(seed)
    k1, k2, k3, k4, k5 = jax.random.split(key, 5)
    h = jax.random.normal(k1, (N_NODES, RANK), dtype=jnp.float32)
    norm = jax.random.uniform(k2, (N_NODES, 1), dtype=jnp.float32)
    edge_index = jax.random.randint(k3, (2, N_EDGES), 0, N_NODES, dtype=jnp.int64)
    edge_type = jax.random.randint(k4, (N_EDGES,), 0, N_RELATIONS, dtype=jnp.int64)
    # learned relation embedding table; original chunks weight [R, 2*rank] into two halves
    rel_weight = jax.random.normal(k5, (N_RELATIONS, 2 * RANK), dtype=jnp.float32) * 0.001
    return {"h": h, "norm": norm, "edge_index": edge_index, "edge_type": edge_type, "rel_weight": rel_weight}

def reference(h, norm, edge_index, edge_type, rel_weight):
    # rel = first chunk of weight along dim=1 (torch.chunk(w, 2, dim=1)[0])
    rel = rel_weight[:, :RANK]
    src = edge_index[0]
    dst = edge_index[1]
    # msg_func: msg = e_o + r_emb  (gather src node reprs + gather relation embeddings)
    r_emb = jnp.take(rel, edge_type, axis=0)
    e_o = jnp.take(h, src, axis=0)
    msg = e_o + r_emb
    # fn.sum(msg='msg', out='h'): scatter-add messages to destination nodes
    agg = jax.ops.segment_sum(msg, dst, num_segments=N_NODES)
    # apply_func: h = h * norm
    node_repr = agg * norm
    # self_loop=False -> node_repr = g.ndata['h']; bias=None; dropout=0.0 (identity)
    return node_repr

if __name__ == "__main__":
    import jax
    _d = setup_inputs()
    print(jax.jit(kernel)(*tuple(_d.values())))

</pallas_src>

<mosaic_0001>
#map = affine_map<(d0, d1) -> (0, 0)>
#map1 = affine_map<(d0, d1) -> (0)>
module attributes {stable_mosaic.version = 14 : i64} {
  func.func @body(%arg0: i32, %arg1: i32, %arg2: memref<10000x128xf32, #tpu.memory_space<hbm>>, %arg3: memref<256x128xf32, #tpu.memory_space<hbm>>, %arg4: memref<645120xi32, #tpu.memory_space<hbm>>, %arg5: memref<645120xi32, #tpu.memory_space<hbm>>, %arg6: memref<645120xi32, #tpu.memory_space<hbm>>, %arg7: memref<20480x128xf32, #tpu.memory_space<hbm>>, %arg8: memref<10240x128xf32, #tpu.memory_space<vmem_shared>>, %arg9: memref<256x128xf32, #tpu.memory_space<vmem_shared>>, %arg10: memref<120xi32, #tpu.memory_space<vmem>>, %arg11: memref<120xi32, #tpu.memory_space<vmem>>, %arg12: memref<120xi32, #tpu.memory_space<vmem>>, %arg13: memref<120xi32, #tpu.memory_space<vmem>>, %arg14: memref<120xi32, #tpu.memory_space<vmem>>, %arg15: memref<120xi32, #tpu.memory_space<vmem>>, %arg16: memref<2x120x128xf32, #tpu.memory_space<vmem>>, %arg17: memref<120x128xf32, #tpu.memory_space<vmem>>, %arg18: memref<!tpu.dma_semaphore, #tpu.memory_space<semaphore_mem>>, %arg19: memref<!tpu.dma_semaphore, #tpu.memory_space<semaphore_mem>>, %arg20: memref<!tpu.dma_semaphore, #tpu.memory_space<semaphore_mem>>, %arg21: memref<!tpu.dma_semaphore, #tpu.memory_space<semaphore_mem>>, %arg22: memref<!tpu.dma_semaphore, #tpu.memory_space<semaphore_mem>>, %arg23: memref<!tpu.dma_semaphore, #tpu.memory_space<semaphore_mem>>) attributes {dimension_semantics = [#tpu.dimension_semantics<core_parallel>, #tpu.dimension_semantics<subcore_parallel>], iteration_bounds = array<i64: 2, 16>, scalar_prefetch = 0 : i64, scratch_operands = 16 : i64, tpu.core_type = #tpu.core_type<sc_vector_subcore>, window_params = [{transform_indices = #map}, {transform_indices = #map}, {transform_indices = #map1}, {transform_indices = #map1}, {transform_indices = #map1}, {transform_indices = #map}]} {
    %mul3A = arith.constant 2 : i32
    %mul3A_0 = arith.muli %arg1, %mul3A : i32
    %add3A = arith.addi %mul3A_0, %arg0 : i32
    %mul3A_1 = arith.constant 16 : i32
    %mul3A_2 = arith.muli %arg1, %mul3A_1 : i32
    %run_scoped3A = arith.constant 0 : i32
    "tpu.region"() ({
      %run_scoped3A_82 = tpu.sem_alloc : memref<!tpu.dma_semaphore, #tpu.memory_space<semaphore_mem>>
      %dma_start3A_83 = arith.constant 0 : i32
      %dma_start3A_84 = arith.constant 0 : i32
      %dma_start3A_85 = tpu.memref_slice %arg16[%run_scoped3A, %dma_start3A_83, %dma_start3A_84] : memref<2x120x128xf32, #tpu.memory_space<vmem>> -> memref<1x16x128xf32, #tpu.memory_space<vmem>>
      %dma_start3A_86 = tpu.memref_squeeze %dma_start3A_85 : memref<1x16x128xf32, #tpu.memory_space<vmem>> -> memref<16x128xf32, #tpu.memory_space<vmem>>
      %dma_start3A_87 = arith.constant 0 : i32
      %dma_start3A_88 = tpu.memref_slice %arg3[%mul3A_2, %dma_start3A_87] : memref<256x128xf32, #tpu.memory_space<hbm>> -> memref<16x128xf32, #tpu.memory_space<hbm>>
      %dma_start3A_89 = arith.constant 0 : i32
      %dma_start3A_90 = arith.constant 0 : i32
      %dma_start3A_91 = tpu.memref_slice %arg16[%run_scoped3A, %dma_start3A_89, %dma_start3A_90] : memref<2x120x128xf32, #tpu.memory_space<vmem>> -> memref<1x16x128xf32, #tpu.memory_space<vmem>>
      %dma_start3A_92 = tpu.memref_squeeze %dma_start3A_91 : memref<1x16x128xf32, #tpu.memory_space<vmem>> -> memref<16x128xf32, #tpu.memory_space<vmem>>
      %dma_start3A_93 = arith.constant 0 : i32
      %dma_start3A_94 = tpu.memref_slice %arg3[%mul3A_2, %dma_start3A_93] : memref<256x128xf32, #tpu.memory_space<hbm>> -> memref<16x128xf32, #tpu.memory_space<hbm>>
      tpu.enqueue_dma source(%dma_start3A_94 : memref<16x128xf32, #tpu.memory_space<hbm>>) target(%dma_start3A_92 : memref<16x128xf32, #tpu.memory_space<vmem>>) target_semaphore(%run_scoped3A_82 : memref<!tpu.dma_semaphore, #tpu.memory_space<semaphore_mem>>)
      %dma_wait3A_95 = arith.constant 0 : i32
      %dma_wait3A_96 = arith.constant 0 : i32
      %dma_wait3A_97 = tpu.memref_slice %arg16[%run_scoped3A, %dma_wait3A_95, %dma_wait3A_96] : memref<2x120x128xf32, #tpu.memory_space<vmem>> -> memref<1x16x128xf32, #tpu.memory_space<vmem>>
      %dma_wait3A_98 = tpu.memref_squeeze %dma_wait3A_97 : memref<1x16x128xf32, #tpu.memory_space<vmem>> -> memref<16x128xf32, #tpu.memory_space<vmem>>
      %dma_wait3A_99 = arith.constant 0 : i32
      %dma_wait3A_100 = tpu.memref_slice %arg3[%mul3A_2, %dma_wait3A_99] : memref<256x128xf32, #tpu.memory_space<hbm>> -> memref<16x128xf32, #tpu.memory_space<hbm>>
      %dma_wait3A_101 = arith.constant 0 : i32
      %dma_wait3A_102 = arith.constant 0 : i32
      %dma_wait3A_103 = tpu.memref_slice %arg16[%run_scoped3A, %dma_wait3A_101, %dma_wait3A_102] : memref<2x120x128xf32, #tpu.memory_space<vmem>> -> memref<1x16x128xf32, #tpu.memory_space<vmem>>
      %dma_wait3A_104 = tpu.memref_squeeze %dma_wait3A_103 : memref<1x16x128xf32, #tpu.memory_space<vmem>> -> memref<16x128xf32, #tpu.memory_space<vmem>>
      %dma_wait3A_105 = arith.constant 0 : i32
      %dma_wait3A_106 = tpu.memref_slice %arg3[%mul3A_2, %dma_wait3A_105] : memref<256x128xf32, #tpu.memory_space<hbm>> -> memref<16x128xf32, #tpu.memory_space<hbm>>
      tpu.wait_dma2 semaphore(%run_scoped3A_82 : memref<!tpu.dma_semaphore, #tpu.memory_space<semaphore_mem>>) src(%dma_wait3A_106 : memref<16x128xf32, #tpu.memory_space<hbm>>) dst(%dma_wait3A_104 : memref<16x128xf32, #tpu.memory_space<vmem>>)
      tpu.yield
    }) : () -> ()
    %mul3A_3 = arith.constant 16 : i32
    %mul3A_4 = arith.muli %arg1, %mul3A_3 : i32
    %run_scoped3A_5 = arith.constant 0 : i32
    "tpu.region"() ({
      %run_scoped3A_82 = tpu.sem_alloc : memref<!tpu.dma_semaphore, #tpu.memory_space<semaphore_mem>>
      %dma_start3A_83 = arith.constant 0 : i32
      %dma_start3A_84 = arith.constant 0 : i32
      %dma_start3A_85 = tpu.memref_slice %arg16[%run_scoped3A_5, %dma_start3A_83, %dma_start3A_84] : memref<2x120x128xf32, #tpu.memory_space<vmem>> -> memref<1x16x128xf32, #tpu.memory_space<vmem>>
      %dma_start3A_86 = tpu.memref_squeeze %dma_start3A_85 : memref<1x16x128xf32, #tpu.memory_space<vmem>> -> memref<16x128xf32, #tpu.memory_space<vmem>>
      %dma_start3A_87 = arith.constant 0 : i32
      %dma_start3A_88 = tpu.memref_slice %arg9[%mul3A_4, %dma_start3A_87] : memref<256x128xf32, #tpu.memory_space<vmem_shared>> -> memref<16x128xf32, #tpu.memory_space<vmem_shared>>
      %dma_start3A_89 = arith.constant 0 : i32
      %dma_start3A_90 = tpu.memref_slice %arg9[%mul3A_4, %dma_start3A_89] : memref<256x128xf32, #tpu.memory_space<vmem_shared>> -> memref<16x128xf32, #tpu.memory_space<vmem_shared>>
      %dma_start3A_91 = arith.constant 0 : i32
      %dma_start3A_92 = arith.constant 0 : i32
      %dma_start3A_93 = tpu.memref_slice %arg16[%run_scoped3A_5, %dma_start3A_91, %dma_start3A_92] : memref<2x120x128xf32, #tpu.memory_space<vmem>> -> memref<1x16x128xf32, #tpu.memory_space<vmem>>
      %dma_start3A_94 = tpu.memref_squeeze %dma_start3A_93 : memref<1x16x128xf32, #tpu.memory_space<vmem>> -> memref<16x128xf32, #tpu.memory_space<vmem>>
      tpu.enqueue_dma source(%dma_start3A_94 : memref<16x128xf32, #tpu.memory_space<vmem>>) target(%dma_start3A_90 : memref<16x128xf32, #tpu.memory_space<vmem_shared>>) target_semaphore(%run_scoped3A_82 : memref<!tpu.dma_semaphore, #tpu.memory_space<semaphore_mem>>)
      %dma_wait3A_95 = arith.constant 0 : i32
      %dma_wait3A_96 = arith.constant 0 : i32
      %dma_wait3A_97 = tpu.memref_slice %arg16[%run_scoped3A_5, %dma_wait3A_95, %dma_wait3A_96] : memref<2x120x128xf32, #tpu.memory_space<vmem>> -> memref<1x16x128xf32, #tpu.memory_space<vmem>>
      %dma_wait3A_98 = tpu.memref_squeeze %dma_wait3A_97 : memref<1x16x128xf32, #tpu.memory_space<vmem>> -> memref<16x128xf32, #tpu.memory_space<vmem>>
      %dma_wait3A_99 = arith.constant 0 : i32
      %dma_wait3A_100 = tpu.memref_slice %arg9[%mul3A_4, %dma_wait3A_99] : memref<256x128xf32, #tpu.memory_space<vmem_shared>> -> memref<16x128xf32, #tpu.memory_space<vmem_shared>>
      %dma_wait3A_101 = arith.constant 0 : i32
      %dma_wait3A_102 = tpu.memref_slice %arg9[%mul3A_4, %dma_wait3A_101] : memref<256x128xf32, #tpu.memory_space<vmem_shared>> -> memref<16x128xf32, #tpu.memory_space<vmem_shared>>
      %dma_wait3A_103 = arith.constant 0 : i32
      %dma_wait3A_104 = arith.constant 0 : i32
      %dma_wait3A_105 = tpu.memref_slice %arg16[%run_scoped3A_5, %dma_wait3A_103, %dma_wait3A_104] : memref<2x120x128xf32, #tpu.memory_space<vmem>> -> memref<1x16x128xf32, #tpu.memory_space<vmem>>
      %dma_wait3A_106 = tpu.memref_squeeze %dma_wait3A_105 : memref<1x16x128xf32, #tpu.memory_space<vmem>> -> memref<16x128xf32, #tpu.memory_space<vmem>>
      tpu.wait_dma2 semaphore(%run_scoped3A_82 : memref<!tpu.dma_semaphore, #tpu.memory_space<semaphore_mem>>) src(%dma_wait3A_106 : memref<16x128xf32, #tpu.memory_space<vmem>>) dst(%dma_wait3A_102 : memref<16x128xf32, #tpu.memory_space<vmem_shared>>)
      tpu.yield
    }) : () -> ()
    %scan3A = arith.constant 0 : i32
    %scan3A_6 = arith.constant 80 : i32
    %scan3A_7 = arith.addi %scan3A, %scan3A_6 : i32
    %scan3A_8 = arith.constant 1 : i32
    scf.for %scan3A_82 = %scan3A to %scan3A_7 step %scan3A_8  : i32 {
      %mul3A_83 = arith.constant 1 : i32
      %mul3A_84 = arith.muli %scan3A_82, %mul3A_83 : i32
      %add3A_85 = arith.constant 0 : i32
      %add3A_86 = arith.addi %add3A_85, %mul3A_84 : i32
      %scan3A_87 = arith.constant 0 : i32
      %scan3A_88 = arith.constant 8 : i32
      %scan3A_89 = arith.addi %scan3A_87, %scan3A_88 : i32
      %scan3A_90 = arith.constant 1 : i32
      scf.for %scan3A_92 = %scan3A_87 to %scan3A_89 step %scan3A_90  : i32 {
        %mul3A_93 = arith.constant 1 : i32
        %mul3A_94 = arith.muli %scan3A_92, %mul3A_93 : i32
        %add3A_95 = arith.constant 0 : i32
        %add3A_96 = arith.addi %add3A_95, %mul3A_94 : i32
        %broadcast_in_dim3A = arith.constant 0.000000e+00 : f32
        %broadcast_in_dim3A_97 = vector.broadcast %broadcast_in_dim3A : f32 to vector<16xf32>
        %mul3A_98 = arith.constant 16 : i32
        %mul3A_99 = arith.muli %add3A_96, %mul3A_98 : i32
        %swap3A = arith.constant 0 : i32
        %swap3A_100 = arith.index_cast %swap3A : i32 to index
        %swap3A_101 = arith.index_cast %add3A_86 : i32 to index
        %swap3A_102 = arith.index_cast %mul3A_99 : i32 to index
        %swap3A_103 = tpu.vector_load %arg16[%swap3A_100, %swap3A_101, %swap3A_102] {strides = array<i32>} : memref<2x120x128xf32, #tpu.memory_space<vmem>>, vector<1x1x16xf32>,
        %swap3A_104 = vector.shape_cast %swap3A_103 : vector<1x1x16xf32> to vector<16xf32>
        %swap3A_105 = vector.shape_cast %broadcast_in_dim3A_97 : vector<16xf32> to vector<1x1x16xf32>
        tpu.vector_store %arg16[%swap3A_100, %swap3A_101, %swap3A_102], %swap3A_105 {strides = array<i32>} : memref<2x120x128xf32, #tpu.memory_space<vmem>>, vector<1x1x16xf32>,
      }
      %scan3A_91 = arith.constant 8 : i32
    }
    %scan3A_9 = arith.constant 80 : i32
    %mul3A_10 = arith.constant 640 : i32
    %mul3A_11 = arith.muli %arg1, %mul3A_10 : i32
    %scan3A_12 = arith.constant 0 : i32
    %scan3A_13 = arith.constant 8 : i32
    %scan3A_14 = arith.addi %scan3A_12, %scan3A_13 : i32
    %scan3A_15 = arith.constant 1 : i32
    scf.for %scan3A_82 = %scan3A_12 to %scan3A_14 step %scan3A_15  : i32 {
      %mul3A_83 = arith.constant 1 : i32
      %mul3A_84 = arith.muli %scan3A_82, %mul3A_83 : i32
      %add3A_85 = arith.constant 0 : i32
      %add3A_86 = arith.addi %add3A_85, %mul3A_84 : i32
      %mul3A_87 = arith.constant 80 : i32
      %mul3A_88 = arith.muli %add3A_86, %mul3A_87 : i32
      %add3A_89 = arith.addi %mul3A_11, %mul3A_88 : i32
      %run_scoped3A_90 = arith.constant 0 : i32
      "tpu.region"() ({
        %run_scoped3A_91 = tpu.sem_alloc : memref<!tpu.dma_semaphore, #tpu.memory_space<semaphore_mem>>
        %dma_start3A_92 = arith.constant 0 : i32
        %dma_start3A_93 = arith.constant 0 : i32
        %dma_start3A_94 = tpu.memref_slice %arg16[%run_scoped3A_90, %dma_start3A_92, %dma_start3A_93] : memref<2x120x128xf32, #tpu.memory_space<vmem>> -> memref<1x80x128xf32, #tpu.memory_space<vmem>>
        %dma_start3A_95 = tpu.memref_squeeze %dma_start3A_94 : memref<1x80x128xf32, #tpu.memory_space<vmem>> -> memref<80x128xf32, #tpu.memory_space<vmem>>
        %dma_start3A_96 = arith.constant 0 : i32
        %dma_start3A_97 = tpu.memref_slice %arg8[%add3A_89, %dma_start3A_96] : memref<10240x128xf32, #tpu.memory_space<vmem_shared>> -> memref<80x128xf32, #tpu.memory_space<vmem_shared>>
        %dma_start3A_98 = arith.constant 0 : i32
        %dma_start3A_99 = tpu.memref_slice %arg8[%add3A_89, %dma_start3A_98] : memref<10240x128xf32, #tpu.memory_space<vmem_shared>> -> memref<80x128xf32, #tpu.memory_space<vmem_shared>>
        %dma_start3A_100 = arith.constant 0 : i32
        %dma_start3A_101 = arith.constant 0 : i32
        %dma_start3A_102 = tpu.memref_slice %arg16[%run_scoped3A_90, %dma_start3A_100, %dma_start3A_101] : memref<2x120x128xf32, #tpu.memory_space<vmem>> -> memref<1x80x128xf32, #tpu.memory_space<vmem>>
        %dma_start3A_103 = tpu.memref_squeeze %dma_start3A_102 : memref<1x80x128xf32, #tpu.memory_space<vmem>> -> memref<80x128xf32, #tpu.memory_space<vmem>>
        tpu.enqueue_dma source(%dma_start3A_103 : memref<80x128xf32, #tpu.memory_space<vmem>>) target(%dma_start3A_99 : memref<80x128xf32, #tpu.memory_space<vmem_shared>>) target_semaphore(%run_scoped3A_91 : memref<!tpu.dma_semaphore, #tpu.memory_space<semaphore_mem>>)
        %dma_wait3A_104 = arith.constant 0 : i32
        %dma_wait3A_105 = arith.constant 0 : i32
        %dma_wait3A_106 = tpu.memref_slice %arg16[%run_scoped3A_90, %dma_wait3A_104, %dma_wait3A_105] : memref<2x120x128xf32, #tpu.memory_space<vmem>> -> memref<1x80x128xf32, #tpu.memory_space<vmem>>
        %dma_wait3A_107 = tpu.memref_squeeze %dma_wait3A_106 : memref<1x80x128xf32, #tpu.memory_space<vmem>> -> memref<80x128xf32, #tpu.memory_space<vmem>>
        %dma_wait3A_108 = arith.constant 0 : i32
        %dma_wait3A_109 = tpu.memref_slice %arg8[%add3A_89, %dma_wait3A_108] : memref<10240x128xf32, #tpu.memory_space<vmem_shared>> -> memref<80x128xf32, #tpu.memory_space<vmem_shared>>
        %dma_wait3A_110 = arith.constant 0 : i32
        %dma_wait3A_111 = tpu.memref_slice %arg8[%add3A_89, %dma_wait3A_110] : memref<10240x128xf32, #tpu.memory_space<vmem_shared>> -> memref<80x128xf32, #tpu.memory_space<vmem_shared>>
        %dma_wait3A_112 = arith.constant 0 : i32
        %dma_wait3A_113 = arith.constant 0 : i32
        %dma_wait3A_114 = tpu.memref_slice %arg16[%run_scoped3A_90, %dma_wait3A_112, %dma_wait3A_113] : memref<2x120x128xf32, #tpu.memory_space<vmem>> -> memref<1x80x128xf32, #tpu.memory_space<vmem>>
        %dma_wait3A_115 = tpu.memref_squeeze %dma_wait3A_114 : memref<1x80x128xf32, #tpu.memory_space<vmem>> -> memref<80x128xf32, #tpu.memory_space<vmem>>
        tpu.wait_dma2 semaphore(%run_scoped3A_91 : memref<!tpu.dma_semaphore, #tpu.memory_space<semaphore_mem>>) src(%dma_wait3A_115 : memref<80x128xf32, #tpu.memory_space<vmem>>) dst(%dma_wait3A_111 : memref<80x128xf32, #tpu.memory_space<vmem_shared>>)
        tpu.yield
      }) : () -> ()
    }
    %scan3A_16 = arith.constant 8 : i32
    %barrier3A = arith.constant 0 : index
    tpu.barrier barrier_id(%barrier3A)
    %mul3A_17 = arith.constant 168 : i32
    %mul3A_18 = arith.muli %add3A, %mul3A_17 : i32
    %mul3A_19 = arith.constant 120 : i32
    %mul3A_20 = arith.muli %mul3A_18, %mul3A_19 : i32
    %scan3A_21 = arith.constant 0 : i32
    %scan3A_22 = arith.constant 84 : i32
    %scan3A_23 = arith.addi %scan3A_21, %scan3A_22 : i32
    %scan3A_24 = arith.constant 1 : i32
    scf.for %scan3A_82 = %scan3A_21 to %scan3A_23 step %scan3A_24  : i32 {
      %mul3A_83 = arith.constant 2 : i32
      %mul3A_84 = arith.muli %scan3A_82, %mul3A_83 : i32
      %add3A_85 = arith.constant 0 : i32
      %add3A_86 = arith.addi %add3A_85, %mul3A_84 : i32
      %add3A_87 = arith.constant 0 : i32
      %add3A_88 = arith.addi %add3A_86, %add3A_87 : i32
      %mul3A_89 = arith.constant 120 : i32
      %mul3A_90 = arith.muli %add3A_88, %mul3A_89 : i32
      %add3A_91 = arith.addi %mul3A_20, %mul3A_90 : i32
      %ge3A = arith.constant 2 : i32
      %ge3A_92 = arith.cmpi sge, %add3A_88, %ge3A : i32
      %convert_element_type3A = arith.extui %ge3A_92 : i1 to i32
      %cond3A = arith.constant 0 : i32
      %cond3A_93 = arith.cmpi ne, %convert_element_type3A, %cond3A : i32
      scf.if %cond3A_93 {
        %dma_wait3A_130 = arith.constant 0 : i32
        %dma_wait3A_131 = arith.constant 0 : i32
        %dma_wait3A_132 = arith.constant 0 : i32
        %dma_wait3A_133 = tpu.memref_slice %arg16[%dma_wait3A_130, %dma_wait3A_131, %dma_wait3A_132] : memref<2x120x128xf32, #tpu.memory_space<vmem>> -> memref<1x120x128xf32, #tpu.memory_space<vmem>>
        %dma_wait3A_134 = tpu.memref_squeeze %dma_wait3A_133 : memref<1x120x128xf32, #tpu.memory_space<vmem>> -> memref<120x128xf32, #tpu.memory_space<vmem>>
        %dma_wait3A_135 = arith.constant 0 : i32
        %dma_wait3A_136 = arith.constant 0 : i32
        %dma_wait3A_137 = tpu.memref_slice %arg8[%dma_wait3A_135, %dma_wait3A_136] : memref<10240x128xf32, #tpu.memory_space<vmem_shared>> -> memref<10240x128xf32, #tpu.memory_space<vmem_shared>>
        tpu.wait_indirect_dma semaphore(%arg21 : memref<!tpu.dma_semaphore, #tpu.memory_space<semaphore_mem>>) src(%dma_wait3A_134 : memref<120x128xf32, #tpu.memory_space<vmem>>) dst(%dma_wait3A_137 : memref<10240x128xf32, #tpu.memory_space<vmem_shared>>)
      } else {
      }
      "tpu.region"() ({
        %run_scoped3A_130 = tpu.sem_alloc : memref<!tpu.dma_semaphore, #tpu.memory_space<semaphore_mem>>
        %dma_start3A_131 = tpu.memref_slice %arg4[%add3A_91] : memref<645120xi32, #tpu.memory_space<hbm>> -> memref<120xi32, #tpu.memory_space<hbm>>
        %dma_start3A_132 = tpu.memref_slice %arg4[%add3A_91] : memref<645120xi32, #tpu.memory_space<hbm>> -> memref<120xi32, #tpu.memory_space<hbm>>
        tpu.enqueue_dma source(%dma_start3A_132 : memref<120xi32, #tpu.memory_space<hbm>>) target(%arg10 : memref<120xi32, #tpu.memory_space<vmem>>) target_semaphore(%run_scoped3A_130 : memref<!tpu.dma_semaphore, #tpu.memory_space<semaphore_mem>>)
        %dma_wait3A_133 = tpu.memref_slice %arg4[%add3A_91] : memref<645120xi32, #tpu.memory_space<hbm>> -> memref<120xi32, #tpu.memory_space<hbm>>
        %dma_wait3A_134 = tpu.memref_slice %arg4[%add3A_91] : memref<645120xi32, #tpu.memory_space<hbm>> -> memref<120xi32, #tpu.memory_space<hbm>>
        tpu.wait_dma2 semaphore(%run_scoped3A_130 : memref<!tpu.dma_semaphore, #tpu.memory_space<semaphore_mem>>) src(%dma_wait3A_134 : memref<120xi32, #tpu.memory_space<hbm>>) dst(%arg10 : memref<120xi32, #tpu.memory_space<vmem>>)
        tpu.yield
      }) : () -> ()
      "tpu.region"() ({
        %run_scoped3A_130 = tpu.sem_alloc : memref<!tpu.dma_semaphore, #tpu.memory_space<semaphore_mem>>
        %dma_start3A_131 = tpu.memref_slice %arg5[%add3A_91] : memref<645120xi32, #tpu.memory_space<hbm>> -> memref<120xi32, #tpu.memory_space<hbm>>
        %dma_start3A_132 = tpu.memref_slice %arg5[%add3A_91] : memref<645120xi32, #tpu.memory_space<hbm>> -> memref<120xi32, #tpu.memory_space<hbm>>
        tpu.enqueue_dma source(%dma_start3A_132 : memref<120xi32, #tpu.memory_space<hbm>>) target(%arg12 : memref<120xi32, #tpu.memory_space<vmem>>) target_semaphore(%run_scoped3A_130 : memref<!tpu.dma_semaphore, #tpu.memory_space<semaphore_mem>>)
        %dma_wait3A_133 = tpu.memref_slice %arg5[%add3A_91] : memref<645120xi32, #tpu.memory_space<hbm>> -> memref<120xi32, #tpu.memory_space<hbm>>
        %dma_wait3A_134 = tpu.memref_slice %arg5[%add3A_91] : memref<645120xi32, #tpu.memory_space<hbm>> -> memref<120xi32, #tpu.memory_space<hbm>>
        tpu.wait_dma2 semaphore(%run_scoped3A_130 : memref<!tpu.dma_semaphore, #tpu.memory_space<semaphore_mem>>) src(%dma_wait3A_134 : memref<120xi32, #tpu.memory_space<hbm>>) dst(%arg12 : memref<120xi32, #tpu.memory_space<vmem>>)
        tpu.yield
      }) : () -> ()
      "tpu.region"() ({
        %run_scoped3A_130 = tpu.sem_alloc : memref<!tpu.dma_semaphore, #tpu.memory_space<semaphore_mem>>
        %dma_start3A_131 = tpu.memref_slice %arg6[%add3A_91] : memref<645120xi32, #tpu.memory_space<hbm>> -> memref<120xi32, #tpu.memory_space<hbm>>
        %dma_start3A_132 = tpu.memref_slice %arg6[%add3A_91] : memref<645120xi32, #tpu.memory_space<hbm>> -> memref<120xi32, #tpu.memory_space<hbm>>
        tpu.enqueue_dma source(%dma_start3A_132 : memref<120xi32, #tpu.memory_space<hbm>>) target(%arg14 : memref<120xi32, #tpu.memory_space<vmem>>) target_semaphore(%run_scoped3A_130 : memref<!tpu.dma_semaphore, #tpu.memory_space<semaphore_mem>>)
        %dma_wait3A_133 = tpu.memref_slice %arg6[%add3A_91] : memref<645120xi32, #tpu.memory_space<hbm>> -> memref<120xi32, #tpu.memory_space<hbm>>
        %dma_wait3A_134 = tpu.memref_slice %arg6[%add3A_91] : memref<645120xi32, #tpu.memory_space<hbm>> -> memref<120xi32, #tpu.memory_space<hbm>>
        tpu.wait_dma2 semaphore(%run_scoped3A_130 : memref<!tpu.dma_semaphore, #tpu.memory_space<semaphore_mem>>) src(%dma_wait3A_134 : memref<120xi32, #tpu.memory_space<hbm>>) dst(%arg14 : memref<120xi32, #tpu.memory_space<vmem>>)
        tpu.yield
      }) : () -> ()
      %dma_start3A_94 = arith.constant 0 : i32
      %dma_start3A_95 = arith.constant 0 : i32
      %dma_start3A_96 = arith.constant 0 : i32
      %dma_start3A_97 = tpu.memref_slice %arg16[%dma_start3A_94, %dma_start3A_95, %dma_start3A_96] : memref<2x120x128xf32, #tpu.memory_space<vmem>> -> memref<1x120x128xf32, #tpu.memory_space<vmem>>
      %dma_start3A_98 = tpu.memref_squeeze %dma_start3A_97 : memref<1x120x128xf32, #tpu.memory_space<vmem>> -> memref<120x128xf32, #tpu.memory_space<vmem>>
      %dma_start3A_99 = arith.constant 0 : i32
      %dma_start3A_100 = arith.constant 0 : i32
      %dma_start3A_101 = tpu.memref_slice %arg2[%dma_start3A_99, %dma_start3A_100] : memref<10000x128xf32, #tpu.memory_space<hbm>> -> memref<10000x128xf32, #tpu.memory_space<hbm>>
      tpu.enqueue_indirect_dma source(%dma_start3A_101 : memref<10000x128xf32, #tpu.memory_space<hbm>>) target(%dma_start3A_98 : memref<120x128xf32, #tpu.memory_space<vmem>>) offsets(%arg10 : memref<120xi32, #tpu.memory_space<vmem>>) semaphore(%arg18 : memref<!tpu.dma_semaphore, #tpu.memory_space<semaphore_mem>>)
      %ge3A_102 = arith.constant 1 : i32
      %ge3A_103 = arith.cmpi sge, %add3A_88, %ge3A_102 : i32
      %convert_element_type3A_104 = arith.extui %ge3A_103 : i1 to i32
      %cond3A_105 = arith.constant 0 : i32
      %cond3A_106 = arith.cmpi ne, %convert_element_type3A_104, %cond3A_105 : i32
      scf.if %cond3A_106 {
        %dma_wait3A_130 = arith.constant 1 : i32
        %dma_wait3A_131 = arith.constant 0 : i32
        %dma_wait3A_132 = arith.constant 0 : i32
        %dma_wait3A_133 = tpu.memref_slice %arg16[%dma_wait3A_130, %dma_wait3A_131, %dma_wait3A_132] : memref<2x120x128xf32, #tpu.memory_space<vmem>> -> memref<1x120x128xf32, #tpu.memory_space<vmem>>
        %dma_wait3A_134 = tpu.memref_squeeze %dma_wait3A_133 : memref<1x120x128xf32, #tpu.memory_space<vmem>> -> memref<120x128xf32, #tpu.memory_space<vmem>>
        %dma_wait3A_135 = arith.constant 0 : i32
        %dma_wait3A_136 = arith.constant 0 : i32
        %dma_wait3A_137 = tpu.memref_slice %arg2[%dma_wait3A_135, %dma_wait3A_136] : memref<10000x128xf32, #tpu.memory_space<hbm>> -> memref<10000x128xf32, #tpu.memory_space<hbm>>
        tpu.wait_indirect_dma semaphore(%arg19 : memref<!tpu.dma_semaphore, #tpu.memory_space<semaphore_mem>>) src(%dma_wait3A_137 : memref<10000x128xf32, #tpu.memory_space<hbm>>) dst(%dma_wait3A_134 : memref<120x128xf32, #tpu.memory_space<vmem>>)
        %dma_start3A_138 = arith.constant 1 : i32
        %dma_start3A_139 = arith.constant 0 : i32
        %dma_start3A_140 = arith.constant 0 : i32
        %dma_start3A_141 = tpu.memref_slice %arg16[%dma_start3A_138, %dma_start3A_139, %dma_start3A_140] : memref<2x120x128xf32, #tpu.memory_space<vmem>> -> memref<1x120x128xf32, #tpu.memory_space<vmem>>
        %dma_start3A_142 = tpu.memref_squeeze %dma_start3A_141 : memref<1x120x128xf32, #tpu.memory_space<vmem>> -> memref<120x128xf32, #tpu.memory_space<vmem>>
        %dma_start3A_143 = arith.constant 0 : i32
        %dma_start3A_144 = arith.constant 0 : i32
        %dma_start3A_145 = tpu.memref_slice %arg8[%dma_start3A_143, %dma_start3A_144] : memref<10240x128xf32, #tpu.memory_space<vmem_shared>> -> memref<10240x128xf32, #tpu.memory_space<vmem_shared>>
        tpu.enqueue_indirect_dma source(%dma_start3A_142 : memref<120x128xf32, #tpu.memory_space<vmem>>) target(%dma_start3A_145 : memref<10240x128xf32, #tpu.memory_space<vmem_shared>>) offsets(%arg13 : memref<120xi32, #tpu.memory_space<vmem>>) semaphore(%arg22 : memref<!tpu.dma_semaphore, #tpu.memory_space<semaphore_mem>>) {add = true}
        %ge3A_146 = arith.constant 2 : i32
        %ge3A_147 = arith.cmpi sge, %add3A_88, %ge3A_146 : i32
        %convert_element_type3A_148 = arith.extui %ge3A_147 : i1 to i32
        %cond3A_149 = arith.constant 0 : i32
        %cond3A_150 = arith.cmpi ne, %convert_element_type3A_148, %cond3A_149 : i32
        scf.if %cond3A_150 {
          %dma_wait3A_160 = arith.constant 0 : i32
          %dma_wait3A_161 = arith.constant 0 : i32
          %dma_wait3A_162 = tpu.memref_slice %arg8[%dma_wait3A_160, %dma_wait3A_161] : memref<10240x128xf32, #tpu.memory_space<vmem_shared>> -> memref<10240x128xf32, #tpu.memory_space<vmem_shared>>
          tpu.wait_indirect_dma semaphore(%arg23 : memref<!tpu.dma_semaphore, #tpu.memory_space<semaphore_mem>>) src(%arg17 : memref<120x128xf32, #tpu.memory_space<vmem>>) dst(%dma_wait3A_162 : memref<10240x128xf32, #tpu.memory_space<vmem_shared>>)
        } else {
        }
        %dma_start3A_151 = arith.constant 0 : i32
        %dma_start3A_152 = arith.constant 0 : i32
        %dma_start3A_153 = tpu.memref_slice %arg9[%dma_start3A_151, %dma_start3A_152] : memref<256x128xf32, #tpu.memory_space<vmem_shared>> -> memref<256x128xf32, #tpu.memory_space<vmem_shared>>
        tpu.enqueue_indirect_dma source(%dma_start3A_153 : memref<256x128xf32, #tpu.memory_space<vmem_shared>>) target(%arg17 : memref<120x128xf32, #tpu.memory_space<vmem>>) offsets(%arg15 : memref<120xi32, #tpu.memory_space<vmem>>) semaphore(%arg20 : memref<!tpu.dma_semaphore, #tpu.memory_space<semaphore_mem>>)
        %dma_wait3A_154 = arith.constant 0 : i32
        %dma_wait3A_155 = arith.constant 0 : i32
        %dma_wait3A_156 = tpu.memref_slice %arg9[%dma_wait3A_154, %dma_wait3A_155] : memref<256x128xf32, #tpu.memory_space<vmem_shared>> -> memref<256x128xf32, #tpu.memory_space<vmem_shared>>
        tpu.wait_indirect_dma semaphore(%arg20 : memref<!tpu.dma_semaphore, #tpu.memory_space<semaphore_mem>>) src(%dma_wait3A_156 : memref<256x128xf32, #tpu.memory_space<vmem_shared>>) dst(%arg17 : memref<120x128xf32, #tpu.memory_space<vmem>>)
        %dma_start3A_157 = arith.constant 0 : i32
        %dma_start3A_158 = arith.constant 0 : i32
        %dma_start3A_159 = tpu.memref_slice %arg8[%dma_start3A_157, %dma_start3A_158] : memref<10240x128xf32, #tpu.memory_space<vmem_shared>> -> memref<10240x128xf32, #tpu.memory_space<vmem_shared>>
        tpu.enqueue_indirect_dma source(%arg17 : memref<120x128xf32, #tpu.memory_space<vmem>>) target(%dma_start3A_159 : memref<10240x128xf32, #tpu.memory_space<vmem_shared>>) offsets(%arg13 : memref<120xi32, #tpu.memory_space<vmem>>) semaphore(%arg23 : memref<!tpu.dma_semaphore, #tpu.memory_space<semaphore_mem>>) {add = true}
      } else {
      }
      %add3A_107 = arith.constant 1 : i32
      %add3A_108 = arith.addi %add3A_86, %add3A_107 : i32
      %mul3A_109 = arith.constant 120 : i32
      %mul3A_110 = arith.muli %add3A_108, %mul3A_109 : i32
      %add3A_111 = arith.addi %mul3A_20, %mul3A_110 : i32
      %ge3A_112 = arith.constant 2 : i32
      %ge3A_113 = arith.cmpi sge, %add3A_108, %ge3A_112 : i32
      %convert_element_type3A_114 = arith.extui %ge3A_113 : i1 to i32
      %cond3A_115 = arith.constant 0 : i32
      %cond3A_116 = arith.cmpi ne, %convert_element_type3A_114, %cond3A_115 : i32
      scf.if %cond3A_116 {
        %dma_wait3A_130 = arith.constant 1 : i32
        %dma_wait3A_131 = arith.constant 0 : i32
        %dma_wait3A_132 = arith.constant 0 : i32
        %dma_wait3A_133 = tpu.memref_slice %arg16[%dma_wait3A_130, %dma_wait3A_131, %dma_wait3A_132] : memref<2x120x128xf32, #tpu.memory_space<vmem>> -> memref<1x120x128xf32, #tpu.memory_space<vmem>>
        %dma_wait3A_134 = tpu.memref_squeeze %dma_wait3A_133 : memref<1x120x128xf32, #tpu.memory_space<vmem>> -> memref<120x128xf32, #tpu.memory_space<vmem>>
        %dma_wait3A_135 = arith.constant 0 : i32
        %dma_wait3A_136 = arith.constant 0 : i32
        %dma_wait3A_137 = tpu.memref_slice %arg8[%dma_wait3A_135, %dma_wait3A_136] : memref<10240x128xf32, #tpu.memory_space<vmem_shared>> -> memref<10240x128xf32, #tpu.memory_space<vmem_shared>>
        tpu.wait_indirect_dma semaphore(%arg22 : memref<!tpu.dma_semaphore, #tpu.memory_space<semaphore_mem>>) src(%dma_wait3A_134 : memref<120x128xf32, #tpu.memory_space<vmem>>) dst(%dma_wait3A_137 : memref<10240x128xf32, #tpu.memory_space<vmem_shared>>)
      } else {
      }
      "tpu.region"() ({
        %run_scoped3A_130 = tpu.sem_alloc : memref<!tpu.dma_semaphore, #tpu.memory_space<semaphore_mem>>
        %dma_start3A_131 = tpu.memref_slice %arg4[%add3A_111] : memref<645120xi32, #tpu.memory_space<hbm>> -> memref<120xi32, #tpu.memory_space<hbm>>
        %dma_start3A_132 = tpu.memref_slice %arg4[%add3A_111] : memref<645120xi32, #tpu.memory_space<hbm>> -> memref<120xi32, #tpu.memory_space<hbm>>
        tpu.enqueue_dma source(%dma_start3A_132 : memref<120xi32, #tpu.memory_space<hbm>>) target(%arg11 : memref<120xi32, #tpu.memory_space<vmem>>) target_semaphore(%run_scoped3A_130 : memref<!tpu.dma_semaphore, #tpu.memory_space<semaphore_mem>>)
        %dma_wait3A_133 = tpu.memref_slice %arg4[%add3A_111] : memref<645120xi32, #tpu.memory_space<hbm>> -> memref<120xi32, #tpu.memory_space<hbm>>
        %dma_wait3A_134 = tpu.memref_slice %arg4[%add3A_111] : memref<645120xi32, #tpu.memory_space<hbm>> -> memref<120xi32, #tpu.memory_space<hbm>>
        tpu.wait_dma2 semaphore(%run_scoped3A_130 : memref<!tpu.dma_semaphore, #tpu.memory_space<semaphore_mem>>) src(%dma_wait3A_134 : memref<120xi32, #tpu.memory_space<hbm>>) dst(%arg11 : memref<120xi32, #tpu.memory_space<vmem>>)
        tpu.yield
      }) : () -> ()
      "tpu.region"() ({
        %run_scoped3A_130 = tpu.sem_alloc : memref<!tpu.dma_semaphore, #tpu.memory_space<semaphore_mem>>
        %dma_start3A_131 = tpu.memref_slice %arg5[%add3A_111] : memref<645120xi32, #tpu.memory_space<hbm>> -> memref<120xi32, #tpu.memory_space<hbm>>
        %dma_start3A_132 = tpu.memref_slice %arg5[%add3A_111] : memref<645120xi32, #tpu.memory_space<hbm>> -> memref<120xi32, #tpu.memory_space<hbm>>
        tpu.enqueue_dma source(%dma_start3A_132 : memref<120xi32, #tpu.memory_space<hbm>>) target(%arg13 : memref<120xi32, #tpu.memory_space<vmem>>) target_semaphore(%run_scoped3A_130 : memref<!tpu.dma_semaphore, #tpu.memory_space<semaphore_mem>>)
        %dma_wait3A_133 = tpu.memref_slice %arg5[%add3A_111] : memref<645120xi32, #tpu.memory_space<hbm>> -> memref<120xi32, #tpu.memory_space<hbm>>
        %dma_wait3A_134 = tpu.memref_slice %arg5[%add3A_111] : memref<645120xi32, #tpu.memory_space<hbm>> -> memref<120xi32, #tpu.memory_space<hbm>>
        tpu.wait_dma2 semaphore(%run_scoped3A_130 : memref<!tpu.dma_semaphore, #tpu.memory_space<semaphore_mem>>) src(%dma_wait3A_134 : memref<120xi32, #tpu.memory_space<hbm>>) dst(%arg13 : memref<120xi32, #tpu.memory_space<vmem>>)
        tpu.yield
      }) : () -> ()
      "tpu.region"() ({
        %run_scoped3A_130 = tpu.sem_alloc : memref<!tpu.dma_semaphore, #tpu.memory_space<semaphore_mem>>
        %dma_start3A_131 = tpu.memref_slice %arg6[%add3A_111] : memref<645120xi32, #tpu.memory_space<hbm>> -> memref<120xi32, #tpu.memory_space<hbm>>
        %dma_start3A_132 = tpu.memref_slice %arg6[%add3A_111] : memref<645120xi32, #tpu.memory_space<hbm>> -> memref<120xi32, #tpu.memory_space<hbm>>
        tpu.enqueue_dma source(%dma_start3A_132 : memref<120xi32, #tpu.memory_space<hbm>>) target(%arg15 : memref<120xi32, #tpu.memory_space<vmem>>) target_semaphore(%run_scoped3A_130 : memref<!tpu.dma_semaphore, #tpu.memory_space<semaphore_mem>>)
        %dma_wait3A_133 = tpu.memref_slice %arg6[%add3A_111] : memref<645120xi32, #tpu.memory_space<hbm>> -> memref<120xi32, #tpu.memory_space<hbm>>
        %dma_wait3A_134 = tpu.memref_slice %arg6[%add3A_111] : memref<645120xi32, #tpu.memory_space<hbm>> -> memref<120xi32, #tpu.memory_space<hbm>>
        tpu.wait_dma2 semaphore(%run_scoped3A_130 : memref<!tpu.dma_semaphore, #tpu.memory_space<semaphore_mem>>) src(%dma_wait3A_134 : memref<120xi32, #tpu.memory_space<hbm>>) dst(%arg15 : memref<120xi32, #tpu.memory_space<vmem>>)
        tpu.yield
      }) : () -> ()
      %dma_start3A_117 = arith.constant 1 : i32
      %dma_start3A_118 = arith.constant 0 : i32
      %dma_start3A_119 = arith.constant 0 : i32
      %dma_start3A_120 = tpu.memref_slice %arg16[%dma_start3A_117, %dma_start3A_118, %dma_start3A_119] : memref<2x120x128xf32, #tpu.memory_space<vmem>> -> memref<1x120x128xf32, #tpu.memory_space<vmem>>
      %dma_start3A_121 = tpu.memref_squeeze %dma_start3A_120 : memref<1x120x128xf32, #tpu.memory_space<vmem>> -> memref<120x128xf32, #tpu.memory_space<vmem>>
      %dma_start3A_122 = arith.constant 0 : i32
      %dma_start3A_123 = arith.constant 0 : i32
      %dma_start3A_124 = tpu.memref_slice %arg2[%dma_start3A_122, %dma_start3A_123] : memref<10000x128xf32, #tpu.memory_space<hbm>> -> memref<10000x128xf32, #tpu.memory_space<hbm>>
      tpu.enqueue_indirect_dma source(%dma_start3A_124 : memref<10000x128xf32, #tpu.memory_space<hbm>>) target(%dma_start3A_121 : memref<120x128xf32, #tpu.memory_space<vmem>>) offsets(%arg11 : memref<120xi32, #tpu.memory_space<vmem>>) semaphore(%arg19 : memref<!tpu.dma_semaphore, #tpu.memory_space<semaphore_mem>>)
      %ge3A_125 = arith.constant 1 : i32
      %ge3A_126 = arith.cmpi sge, %add3A_108, %ge3A_125 : i32
      %convert_element_type3A_127 = arith.extui %ge3A_126 : i1 to i32
      %cond3A_128 = arith.constant 0 : i32
      %cond3A_129 = arith.cmpi ne, %convert_element_type3A_127, %cond3A_128 : i32
      scf.if %cond3A_129 {
        %dma_wait3A_130 = arith.constant 0 : i32
        %dma_wait3A_131 = arith.constant 0 : i32
        %dma_wait3A_132 = arith.constant 0 : i32
        %dma_wait3A_133 = tpu.memref_slice %arg16[%dma_wait3A_130, %dma_wait3A_131, %dma_wait3A_132] : memref<2x120x128xf32, #tpu.memory_space<vmem>> -> memref<1x120x128xf32, #tpu.memory_space<vmem>>
        %dma_wait3A_134 = tpu.memref_squeeze %dma_wait3A_133 : memref<1x120x128xf32, #tpu.memory_space<vmem>> -> memref<120x128xf32, #tpu.memory_space<vmem>>
        %dma_wait3A_135 = arith.constant 0 : i32
        %dma_wait3A_136 = arith.constant 0 : i32
        %dma_wait3A_137 = tpu.memref_slice %arg2[%dma_wait3A_135, %dma_wait3A_136] : memref<10000x128xf32, #tpu.memory_space<hbm>> -> memref<10000x128xf32, #tpu.memory_space<hbm>>
        tpu.wait_indirect_dma semaphore(%arg18 : memref<!tpu.dma_semaphore, #tpu.memory_space<semaphore_mem>>) src(%dma_wait3A_137 : memref<10000x128xf32, #tpu.memory_space<hbm>>) dst(%dma_wait3A_134 : memref<120x128xf32, #tpu.memory_space<vmem>>)
        %dma_start3A_138 = arith.constant 0 : i32
        %dma_start3A_139 = arith.constant 0 : i32
        %dma_start3A_140 = arith.constant 0 : i32
        %dma_start3A_141 = tpu.memref_slice %arg16[%dma_start3A_138, %dma_start3A_139, %dma_start3A_140] : memref<2x120x128xf32, #tpu.memory_space<vmem>> -> memref<1x120x128xf32, #tpu.memory_space<vmem>>
        %dma_start3A_142 = tpu.memref_squeeze %dma_start3A_141 : memref<1x120x128xf32, #tpu.memory_space<vmem>> -> memref<120x128xf32, #tpu.memory_space<vmem>>
        %dma_start3A_143 = arith.constant 0 : i32
        %dma_start3A_144 = arith.constant 0 : i32
        %dma_start3A_145 = tpu.memref_slice %arg8[%dma_start3A_143, %dma_start3A_144] : memref<10240x128xf32, #tpu.memory_space<vmem_shared>> -> memref<10240x128xf32, #tpu.memory_space<vmem_shared>>
        tpu.enqueue_indirect_dma source(%dma_start3A_142 : memref<120x128xf32, #tpu.memory_space<vmem>>) target(%dma_start3A_145 : memref<10240x128xf32, #tpu.memory_space<vmem_shared>>) offsets(%arg12 : memref<120xi32, #tpu.memory_space<vmem>>) semaphore(%arg21 : memref<!tpu.dma_semaphore, #tpu.memory_space<semaphore_mem>>) {add = true}
        %ge3A_146 = arith.constant 2 : i32
        %ge3A_147 = arith.cmpi sge, %add3A_108, %ge3A_146 : i32
        %convert_element_type3A_148 = arith.extui %ge3A_147 : i1 to i32
        %cond3A_149 = arith.constant 0 : i32
        %cond3A_150 = arith.cmpi ne, %convert_element_type3A_148, %cond3A_149 : i32
        scf.if %cond3A_150 {
          %dma_wait3A_160 = arith.constant 0 : i32
          %dma_wait3A_161 = arith.constant 0 : i32
          %dma_wait3A_162 = tpu.memref_slice %arg8[%dma_wait3A_160, %dma_wait3A_161] : memref<10240x128xf32, #tpu.memory_space<vmem_shared>> -> memref<10240x128xf32, #tpu.memory_space<vmem_shared>>
          tpu.wait_indirect_dma semaphore(%arg23 : memref<!tpu.dma_semaphore, #tpu.memory_space<semaphore_mem>>) src(%arg17 : memref<120x128xf32, #tpu.memory_space<vmem>>) dst(%dma_wait3A_162 : memref<10240x128xf32, #tpu.memory_space<vmem_shared>>)
        } else {
        }
        %dma_start3A_151 = arith.constant 0 : i32
        %dma_start3A_152 = arith.constant 0 : i32
        %dma_start3A_153 = tpu.memref_slice %arg9[%dma_start3A_151, %dma_start3A_152] : memref<256x128xf32, #tpu.memory_space<vmem_shared>> -> memref<256x128xf32, #tpu.memory_space<vmem_shared>>
        tpu.enqueue_indirect_dma source(%dma_start3A_153 : memref<256x128xf32, #tpu.memory_space<vmem_shared>>) target(%arg17 : memref<120x128xf32, #tpu.memory_space<vmem>>) offsets(%arg14 : memref<120xi32, #tpu.memory_space<vmem>>) semaphore(%arg20 : memref<!tpu.dma_semaphore, #tpu.memory_space<semaphore_mem>>)
        %dma_wait3A_154 = arith.constant 0 : i32
        %dma_wait3A_155 = arith.constant 0 : i32
        %dma_wait3A_156 = tpu.memref_slice %arg9[%dma_wait3A_154, %dma_wait3A_155] : memref<256x128xf32, #tpu.memory_space<vmem_shared>> -> memref<256x128xf32, #tpu.memory_space<vmem_shared>>
        tpu.wait_indirect_dma semaphore(%arg20 : memref<!tpu.dma_semaphore, #tpu.memory_space<semaphore_mem>>) src(%dma_wait3A_156 : memref<256x128xf32, #tpu.memory_space<vmem_shared>>) dst(%arg17 : memref<120x128xf32, #tpu.memory_space<vmem>>)
        %dma_start3A_157 = arith.constant 0 : i32
        %dma_start3A_158 = arith.constant 0 : i32
        %dma_start3A_159 = tpu.memref_slice %arg8[%dma_start3A_157, %dma_start3A_158] : memref<10240x128xf32, #tpu.memory_space<vmem_shared>> -> memref<10240x128xf32, #tpu.memory_space<vmem_shared>>
        tpu.enqueue_indirect_dma source(%arg17 : memref<120x128xf32, #tpu.memory_space<vmem>>) target(%dma_start3A_159 : memref<10240x128xf32, #tpu.memory_space<vmem_shared>>) offsets(%arg12 : memref<120xi32, #tpu.memory_space<vmem>>) semaphore(%arg23 : memref<!tpu.dma_semaphore, #tpu.memory_space<semaphore_mem>>) {add = true}
      } else {
      }
    }
    %scan3A_25 = arith.constant 84 : i32
    %dma_wait3A = arith.constant 1 : i32
    %dma_wait3A_26 = arith.constant 0 : i32
    %dma_wait3A_27 = arith.constant 0 : i32
    %dma_wait3A_28 = tpu.memref_slice %arg16[%dma_wait3A, %dma_wait3A_26, %dma_wait3A_27] : memref<2x120x128xf32, #tpu.memory_space<vmem>> -> memref<1x120x128xf32, #tpu.memory_space<vmem>>
    %dma_wait3A_29 = tpu.memref_squeeze %dma_wait3A_28 : memref<1x120x128xf32, #tpu.memory_space<vmem>> -> memref<120x128xf32, #tpu.memory_space<vmem>>
    %dma_wait3A_30 = arith.constant 0 : i32
    %dma_wait3A_31 = arith.constant 0 : i32
    %dma_wait3A_32 = tpu.memref_slice %arg2[%dma_wait3A_30, %dma_wait3A_31] : memref<10000x128xf32, #tpu.memory_space<hbm>> -> memref<10000x128xf32, #tpu.memory_space<hbm>>
    tpu.wait_indirect_dma semaphore(%arg19 : memref<!tpu.dma_semaphore, #tpu.memory_space<semaphore_mem>>) src(%dma_wait3A_32 : memref<10000x128xf32, #tpu.memory_space<hbm>>) dst(%dma_wait3A_29 : memref<120x128xf32, #tpu.memory_space<vmem>>)
    %dma_start3A = arith.constant 1 : i32
    %dma_start3A_33 = arith.constant 0 : i32
    %dma_start3A_34 = arith.constant 0 : i32
    %dma_start3A_35 = tpu.memref_slice %arg16[%dma_start3A, %dma_start3A_33, %dma_start3A_34] : memref<2x120x128xf32, #tpu.memory_space<vmem>> -> memref<1x120x128xf32, #tpu.memory_space<vmem>>
    %dma_start3A_36 = tpu.memref_squeeze %dma_start3A_35 : memref<1x120x128xf32, #tpu.memory_space<vmem>> -> memref<120x128xf32, #tpu.memory_space<vmem>>
    %dma_start3A_37 = arith.constant 0 : i32
    %dma_start3A_38 = arith.constant 0 : i32
    %dma_start3A_39 = tpu.memref_slice %arg8[%dma_start3A_37, %dma_start3A_38] : memref<10240x128xf32, #tpu.memory_space<vmem_shared>> -> memref<10240x128xf32, #tpu.memory_space<vmem_shared>>
    tpu.enqueue_indirect_dma source(%dma_start3A_36 : memref<120x128xf32, #tpu.memory_space<vmem>>) target(%dma_start3A_39 : memref<10240x128xf32, #tpu.memory_space<vmem_shared>>) offsets(%arg13 : memref<120xi32, #tpu.memory_space<vmem>>) semaphore(%arg22 : memref<!tpu.dma_semaphore, #tpu.memory_space<semaphore_mem>>) {add = true}
    %dma_wait3A_40 = arith.constant 0 : i32
    %dma_wait3A_41 = arith.constant 0 : i32
    %dma_wait3A_42 = tpu.memref_slice %arg8[%dma_wait3A_40, %dma_wait3A_41] : memref<10240x128xf32, #tpu.memory_space<vmem_shared>> -> memref<10240x128xf32, #tpu.memory_space<vmem_shared>>
    tpu.wait_indirect_dma semaphore(%arg23 : memref<!tpu.dma_semaphore, #tpu.memory_space<semaphore_mem>>) src(%arg17 : memref<120x128xf32, #tpu.memory_space<vmem>>) dst(%dma_wait3A_42 : memref<10240x128xf32, #tpu.memory_space<vmem_shared>>)
    %dma_start3A_43 = arith.constant 0 : i32
    %dma_start3A_44 = arith.constant 0 : i32
    %dma_start3A_45 = tpu.memref_slice %arg9[%dma_start3A_43, %dma_start3A_44] : memref<256x128xf32, #tpu.memory_space<vmem_shared>> -> memref<256x128xf32, #tpu.memory_space<vmem_shared>>
    tpu.enqueue_indirect_dma source(%dma_start3A_45 : memref<256x128xf32, #tpu.memory_space<vmem_shared>>) target(%arg17 : memref<120x128xf32, #tpu.memory_space<vmem>>) offsets(%arg15 : memref<120xi32, #tpu.memory_space<vmem>>) semaphore(%arg20 : memref<!tpu.dma_semaphore, #tpu.memory_space<semaphore_mem>>)
    %dma_wait3A_46 = arith.constant 0 : i32
    %dma_wait3A_47 = arith.constant 0 : i32
    %dma_wait3A_48 = tpu.memref_slice %arg9[%dma_wait3A_46, %dma_wait3A_47] : memref<256x128xf32, #tpu.memory_space<vmem_shared>> -> memref<256x128xf32, #tpu.memory_space<vmem_shared>>
    tpu.wait_indirect_dma semaphore(%arg20 : memref<!tpu.dma_semaphore, #tpu.memory_space<semaphore_mem>>) src(%dma_wait3A_48 : memref<256x128xf32, #tpu.memory_space<vmem_shared>>) dst(%arg17 : memref<120x128xf32, #tpu.memory_space<vmem>>)
    %dma_start3A_49 = arith.constant 0 : i32
    %dma_start3A_50 = arith.constant 0 : i32
    %dma_start3A_51 = tpu.memref_slice %arg8[%dma_start3A_49, %dma_start3A_50] : memref<10240x128xf32, #tpu.memory_space<vmem_shared>> -> memref<10240x128xf32, #tpu.memory_space<vmem_shared>>
    tpu.enqueue_indirect_dma source(%arg17 : memref<120x128xf32, #tpu.memory_space<vmem>>) target(%dma_start3A_51 : memref<10240x128xf32, #tpu.memory_space<vmem_shared>>) offsets(%arg13 : memref<120xi32, #tpu.memory_space<vmem>>) semaphore(%arg23 : memref<!tpu.dma_semaphore, #tpu.memory_space<semaphore_mem>>) {add = true}
    %dma_wait3A_52 = arith.constant 0 : i32
    %dma_wait3A_53 = arith.constant 0 : i32
    %dma_wait3A_54 = arith.constant 0 : i32
    %dma_wait3A_55 = tpu.memref_slice %arg16[%dma_wait3A_52, %dma_wait3A_53, %dma_wait3A_54] : memref<2x120x128xf32, #tpu.memory_space<vmem>> -> memref<1x120x128xf32, #tpu.memory_space<vmem>>
    %dma_wait3A_56 = tpu.memref_squeeze %dma_wait3A_55 : memref<1x120x128xf32, #tpu.memory_space<vmem>> -> memref<120x128xf32, #tpu.memory_space<vmem>>
    %dma_wait3A_57 = arith.constant 0 : i32
    %dma_wait3A_58 = arith.constant 0 : i32
    %dma_wait3A_59 = tpu.memref_slice %arg8[%dma_wait3A_57, %dma_wait3A_58] : memref<10240x128xf32, #tpu.memory_space<vmem_shared>> -> memref<10240x128xf32, #tpu.memory_space<vmem_shared>>
    tpu.wait_indirect_dma semaphore(%arg21 : memref<!tpu.dma_semaphore, #tpu.memory_space<semaphore_mem>>) src(%dma_wait3A_56 : memref<120x128xf32, #tpu.memory_space<vmem>>) dst(%dma_wait3A_59 : memref<10240x128xf32, #tpu.memory_space<vmem_shared>>)
    %dma_wait3A_60 = arith.constant 1 : i32
    %dma_wait3A_61 = arith.constant 0 : i32
    %dma_wait3A_62 = arith.constant 0 : i32
    %dma_wait3A_63 = tpu.memref_slice %arg16[%dma_wait3A_60, %dma_wait3A_61, %dma_wait3A_62] : memref<2x120x128xf32, #tpu.memory_space<vmem>> -> memref<1x120x128xf32, #tpu.memory_space<vmem>>
    %dma_wait3A_64 = tpu.memref_squeeze %dma_wait3A_63 : memref<1x120x128xf32, #tpu.memory_space<vmem>> -> memref<120x128xf32, #tpu.memory_space<vmem>>
    %dma_wait3A_65 = arith.constant 0 : i32
    %dma_wait3A_66 = arith.constant 0 : i32
    %dma_wait3A_67 = tpu.memref_slice %arg8[%dma_wait3A_65, %dma_wait3A_66] : memref<10240x128xf32, #tpu.memory_space<vmem_shared>> -> memref<10240x128xf32, #tpu.memory_space<vmem_shared>>
    tpu.wait_indirect_dma semaphore(%arg22 : memref<!tpu.dma_semaphore, #tpu.memory_space<semaphore_mem>>) src(%dma_wait3A_64 : memref<120x128xf32, #tpu.memory_space<vmem>>) dst(%dma_wait3A_67 : memref<10240x128xf32, #tpu.memory_space<vmem_shared>>)
    %dma_wait3A_68 = arith.constant 0 : i32
    %dma_wait3A_69 = arith.constant 0 : i32
    %dma_wait3A_70 = tpu.memref_slice %arg8[%dma_wait3A_68, %dma_wait3A_69] : memref<10240x128xf32, #tpu.memory_space<vmem_shared>> -> memref<10240x128xf32, #tpu.memory_space<vmem_shared>>
    tpu.wait_indirect_dma semaphore(%arg23 : memref<!tpu.dma_semaphore, #tpu.memory_space<semaphore_mem>>) src(%arg17 : memref<120x128xf32, #tpu.memory_space<vmem>>) dst(%dma_wait3A_70 : memref<10240x128xf32, #tpu.memory_space<vmem_shared>>)
    %barrier3A_71 = arith.constant 0 : index
    tpu.barrier barrier_id(%barrier3A_71)
    %mul3A_72 = arith.constant 10240 : i32
    %mul3A_73 = arith.muli %arg0, %mul3A_72 : i32
    %mul3A_74 = arith.constant 640 : i32
    %mul3A_75 = arith.muli %arg1, %mul3A_74 : i32
    %add3A_76 = arith.addi %mul3A_73, %mul3A_75 : i32
    %scan3A_77 = arith.constant 0 : i32
    %scan3A_78 = arith.constant 8 : i32
    %scan3A_79 = arith.addi %scan3A_77, %scan3A_78 : i32
    %scan3A_80 = arith.constant 1 : i32
    scf.for %scan3A_82 = %scan3A_77 to %scan3A_79 step %scan3A_80  : i32 {
      %mul3A_83 = arith.constant 1 : i32
      %mul3A_84 = arith.muli %scan3A_82, %mul3A_83 : i32
      %add3A_85 = arith.constant 0 : i32
      %add3A_86 = arith.addi %add3A_85, %mul3A_84 : i32
      %mul3A_87 = arith.constant 80 : i32
      %mul3A_88 = arith.muli %add3A_86, %mul3A_87 : i32
      %add3A_89 = arith.addi %mul3A_11, %mul3A_88 : i32
      %run_scoped3A_90 = arith.constant 0 : i32
      "tpu.region"() ({
        %run_scoped3A_95 = tpu.sem_alloc : memref<!tpu.dma_semaphore, #tpu.memory_space<semaphore_mem>>
        %dma_start3A_96 = arith.constant 0 : i32
        %dma_start3A_97 = arith.constant 0 : i32
        %dma_start3A_98 = tpu.memref_slice %arg16[%run_scoped3A_90, %dma_start3A_96, %dma_start3A_97] : memref<2x120x128xf32, #tpu.memory_space<vmem>> -> memref<1x80x128xf32, #tpu.memory_space<vmem>>
        %dma_start3A_99 = tpu.memref_squeeze %dma_start3A_98 : memref<1x80x128xf32, #tpu.memory_space<vmem>> -> memref<80x128xf32, #tpu.memory_space<vmem>>
        %dma_start3A_100 = arith.constant 0 : i32
        %dma_start3A_101 = tpu.memref_slice %arg8[%add3A_89, %dma_start3A_100] : memref<10240x128xf32, #tpu.memory_space<vmem_shared>> -> memref<80x128xf32, #tpu.memory_space<vmem_shared>>
        %dma_start3A_102 = arith.constant 0 : i32
        %dma_start3A_103 = arith.constant 0 : i32
        %dma_start3A_104 = tpu.memref_slice %arg16[%run_scoped3A_90, %dma_start3A_102, %dma_start3A_103] : memref<2x120x128xf32, #tpu.memory_space<vmem>> -> memref<1x80x128xf32, #tpu.memory_space<vmem>>
        %dma_start3A_105 = tpu.memref_squeeze %dma_start3A_104 : memref<1x80x128xf32, #tpu.memory_space<vmem>> -> memref<80x128xf32, #tpu.memory_space<vmem>>
        %dma_start3A_106 = arith.constant 0 : i32
        %dma_start3A_107 = tpu.memref_slice %arg8[%add3A_89, %dma_start3A_106] : memref<10240x128xf32, #tpu.memory_space<vmem_shared>> -> memref<80x128xf32, #tpu.memory_space<vmem_shared>>
        tpu.enqueue_dma source(%dma_start3A_107 : memref<80x128xf32, #tpu.memory_space<vmem_shared>>) target(%dma_start3A_105 : memref<80x128xf32, #tpu.memory_space<vmem>>) target_semaphore(%run_scoped3A_95 : memref<!tpu.dma_semaphore, #tpu.memory_space<semaphore_mem>>)
        %dma_wait3A_108 = arith.constant 0 : i32
        %dma_wait3A_109 = arith.constant 0 : i32
        %dma_wait3A_110 = tpu.memref_slice %arg16[%run_scoped3A_90, %dma_wait3A_108, %dma_wait3A_109] : memref<2x120x128xf32, #tpu.memory_space<vmem>> -> memref<1x80x128xf32, #tpu.memory_space<vmem>>
        %dma_wait3A_111 = tpu.memref_squeeze %dma_wait3A_110 : memref<1x80x128xf32, #tpu.memory_space<vmem>> -> memref<80x128xf32, #tpu.memory_space<vmem>>
        %dma_wait3A_112 = arith.constant 0 : i32
        %dma_wait3A_113 = tpu.memref_slice %arg8[%add3A_89, %dma_wait3A_112] : memref<10240x128xf32, #tpu.memory_space<vmem_shared>> -> memref<80x128xf32, #tpu.memory_space<vmem_shared>>
        %dma_wait3A_114 = arith.constant 0 : i32
        %dma_wait3A_115 = arith.constant 0 : i32
        %dma_wait3A_116 = tpu.memref_slice %arg16[%run_scoped3A_90, %dma_wait3A_114, %dma_wait3A_115] : memref<2x120x128xf32, #tpu.memory_space<vmem>> -> memref<1x80x128xf32, #tpu.memory_space<vmem>>
        %dma_wait3A_117 = tpu.memref_squeeze %dma_wait3A_116 : memref<1x80x128xf32, #tpu.memory_space<vmem>> -> memref<80x128xf32, #tpu.memory_space<vmem>>
        %dma_wait3A_118 = arith.constant 0 : i32
        %dma_wait3A_119 = tpu.memref_slice %arg8[%add3A_89, %dma_wait3A_118] : memref<10240x128xf32, #tpu.memory_space<vmem_shared>> -> memref<80x128xf32, #tpu.memory_space<vmem_shared>>
        tpu.wait_dma2 semaphore(%run_scoped3A_95 : memref<!tpu.dma_semaphore, #tpu.memory_space<semaphore_mem>>) src(%dma_wait3A_119 : memref<80x128xf32, #tpu.memory_space<vmem_shared>>) dst(%dma_wait3A_117 : memref<80x128xf32, #tpu.memory_space<vmem>>)
        tpu.yield
      }) : () -> ()
      %mul3A_91 = arith.constant 80 : i32
      %mul3A_92 = arith.muli %add3A_86, %mul3A_91 : i32
      %add3A_93 = arith.addi %add3A_76, %mul3A_92 : i32
      %run_scoped3A_94 = arith.constant 0 : i32
      "tpu.region"() ({
        %run_scoped3A_95 = tpu.sem_alloc : memref<!tpu.dma_semaphore, #tpu.memory_space<semaphore_mem>>
        %dma_start3A_96 = arith.constant 0 : i32
        %dma_start3A_97 = arith.constant 0 : i32
        %dma_start3A_98 = tpu.memref_slice %arg16[%run_scoped3A_94, %dma_start3A_96, %dma_start3A_97] : memref<2x120x128xf32, #tpu.memory_space<vmem>> -> memref<1x80x128xf32, #tpu.memory_space<vmem>>
        %dma_start3A_99 = tpu.memref_squeeze %dma_start3A_98 : memref<1x80x128xf32, #tpu.memory_space<vmem>> -> memref<80x128xf32, #tpu.memory_space<vmem>>
        %dma_start3A_100 = arith.constant 0 : i32
        %dma_start3A_101 = tpu.memref_slice %arg7[%add3A_93, %dma_start3A_100] : memref<20480x128xf32, #tpu.memory_space<hbm>> -> memref<80x128xf32, #tpu.memory_space<hbm>>
        %dma_start3A_102 = arith.constant 0 : i32
        %dma_start3A_103 = tpu.memref_slice %arg7[%add3A_93, %dma_start3A_102] : memref<20480x128xf32, #tpu.memory_space<hbm>> -> memref<80x128xf32, #tpu.memory_space<hbm>>
        %dma_start3A_104 = arith.constant 0 : i32
        %dma_start3A_105 = arith.constant 0 : i32
        %dma_start3A_106 = tpu.memref_slice %arg16[%run_scoped3A_94, %dma_start3A_104, %dma_start3A_105] : memref<2x120x128xf32, #tpu.memory_space<vmem>> -> memref<1x80x128xf32, #tpu.memory_space<vmem>>
        %dma_start3A_107 = tpu.memref_squeeze %dma_start3A_106 : memref<1x80x128xf32, #tpu.memory_space<vmem>> -> memref<80x128xf32, #tpu.memory_space<vmem>>
        tpu.enqueue_dma source(%dma_start3A_107 : memref<80x128xf32, #tpu.memory_space<vmem>>) target(%dma_start3A_103 : memref<80x128xf32, #tpu.memory_space<hbm>>) target_semaphore(%run_scoped3A_95 : memref<!tpu.dma_semaphore, #tpu.memory_space<semaphore_mem>>)
        %dma_wait3A_108 = arith.constant 0 : i32
        %dma_wait3A_109 = arith.constant 0 : i32
        %dma_wait3A_110 = tpu.memref_slice %arg16[%run_scoped3A_94, %dma_wait3A_108, %dma_wait3A_109] : memref<2x120x128xf32, #tpu.memory_space<vmem>> -> memref<1x80x128xf32, #tpu.memory_space<vmem>>
        %dma_wait3A_111 = tpu.memref_squeeze %dma_wait3A_110 : memref<1x80x128xf32, #tpu.memory_space<vmem>> -> memref<80x128xf32, #tpu.memory_space<vmem>>
        %dma_wait3A_112 = arith.constant 0 : i32
        %dma_wait3A_113 = tpu.memref_slice %arg7[%add3A_93, %dma_wait3A_112] : memref<20480x128xf32, #tpu.memory_space<hbm>> -> memref<80x128xf32, #tpu.memory_space<hbm>>
        %dma_wait3A_114 = arith.constant 0 : i32
        %dma_wait3A_115 = tpu.memref_slice %arg7[%add3A_93, %dma_wait3A_114] : memref<20480x128xf32, #tpu.memory_space<hbm>> -> memref<80x128xf32, #tpu.memory_space<hbm>>
        %dma_wait3A_116 = arith.constant 0 : i32
        %dma_wait3A_117 = arith.constant 0 : i32
        %dma_wait3A_118 = tpu.memref_slice %arg16[%run_scoped3A_94, %dma_wait3A_116, %dma_wait3A_117] : memref<2x120x128xf32, #tpu.memory_space<vmem>> -> memref<1x80x128xf32, #tpu.memory_space<vmem>>
        %dma_wait3A_119 = tpu.memref_squeeze %dma_wait3A_118 : memref<1x80x128xf32, #tpu.memory_space<vmem>> -> memref<80x128xf32, #tpu.memory_space<vmem>>
        tpu.wait_dma2 semaphore(%run_scoped3A_95 : memref<!tpu.dma_semaphore, #tpu.memory_space<semaphore_mem>>) src(%dma_wait3A_119 : memref<80x128xf32, #tpu.memory_space<vmem>>) dst(%dma_wait3A_115 : memref<80x128xf32, #tpu.memory_space<hbm>>)
        tpu.yield
      }) : () -> ()
    }
    %scan3A_81 = arith.constant 8 : i32
    return
  }
}

module attributes {stable_mosaic.version = 14 : i64} {
  func.func @_fin_body(%arg0: i32, %arg1: memref<1000x128xf32, #tpu.memory_space<vmem>>, %arg2: memref<1000x128xf32, #tpu.memory_space<vmem>>, %arg3: memref<1000x1xf32, #tpu.memory_space<vmem>>, %arg4: memref<1000x128xf32, #tpu.memory_space<vmem>>) attributes {dimension_semantics = [#tpu.dimension_semantics<arbitrary>], iteration_bounds = array<i64: 10>, scalar_prefetch = 0 : i64, scratch_operands = 0 : i64, tpu.core_type = #tpu.core_type<tc>, window_params = [{transform_indices = @transform_0, window_bounds = array<i64: 1000, 128>}, {transform_indices = @transform_1, window_bounds = array<i64: 1000, 128>}, {transform_indices = @transform_2, window_bounds = array<i64: 1000, 1>}, {transform_indices = @transform_3, window_bounds = array<i64: 1000, 128>}]} {
    %get3A = arith.constant 0 : index
    %get3A_0 = arith.constant 0 : index
    %get3A_1 = vector.load %arg1[%get3A, %get3A_0] : memref<1000x128xf32, #tpu.memory_space<vmem>>, vector<1000x128xf32>
    %get3A_2 = arith.constant 0 : index
    %get3A_3 = arith.constant 0 : index
    %get3A_4 = vector.load %arg2[%get3A_2, %get3A_3] : memref<1000x128xf32, #tpu.memory_space<vmem>>, vector<1000x128xf32>
    %add3A = arith.addf %get3A_1, %get3A_4 : vector<1000x128xf32>
    %get3A_5 = arith.constant 0 : index
    %get3A_6 = arith.constant 0 : index
    %get3A_7 = vector.load %arg3[%get3A_5, %get3A_6] : memref<1000x1xf32, #tpu.memory_space<vmem>>, vector<1000x1xf32>
    %mul3A = vector.broadcast %get3A_7 : vector<1000x1xf32> to vector<1000x128xf32>
    %mul3A_8 = arith.mulf %add3A, %mul3A : vector<1000x128xf32>
    %swap3A = arith.constant 0 : index
    %swap3A_9 = arith.constant 0 : index
    %swap3A_10 = vector.load %arg4[%swap3A, %swap3A_9] : memref<1000x128xf32, #tpu.memory_space<vmem>>, vector<1000x128xf32>
    tpu.vector_store %arg4[%swap3A, %swap3A_9], %mul3A_8 {strides = array<i32>} : memref<1000x128xf32, #tpu.memory_space<vmem>>, vector<1000x128xf32>,
    return
  }
  func.func @transform_0(%arg0: i32) -> (i32, i32) {
    %c0_i32 = arith.constant 0 : i32
    %c0_i32_0 = arith.constant 0 : i32
    return %arg0, %c0_i32 : i32, i32
  }
  func.func @transform_1(%arg0: i32) -> (i32, i32) {
    %c0_i32 = arith.constant 0 : i32
    %c0_i32_0 = arith.constant 0 : i32
    return %arg0, %c0_i32 : i32, i32
  }
  func.func @transform_2(%arg0: i32) -> (i32, i32) {
    %c0_i32 = arith.constant 0 : i32
    %c0_i32_0 = arith.constant 0 : i32
    return %arg0, %c0_i32 : i32, i32
  }
  func.func @transform_3(%arg0: i32) -> (i32, i32) {
    %c0_i32 = arith.constant 0 : i32
    %c0_i32_0 = arith.constant 0 : i32
    return %arg0, %c0_i32 : i32, i32
  }
}

</mosaic_0001>

<sc_bundles>
// kernel: kernel.4.cloned.1.call-start
scs
__scs_entry_jumppad:
0x0: {  	(pc) =	sbr.rel $0x88, $3  }
0x1: {  	(tag) =	ssettag $0x0;
	lr =	simm.s32 $0x1  }
0x2: {  	[smem:$0x3F9C] =	sst lr;
	_ =	strace $0xD0000000  }
0x3: {  	_ = 	snop  }
0x4: {  	_ = 	snop  }
0x5: {  	_ = 	snop  }
0x6: {  	_ = 	snop  }
0x7: {  	_ = 	snop  }
__scs_overlays_trampoline_lowered:
0x8: {  	[smem:$0x3FAB] =	sst s0  }
0x9: {  	[smem:$0x3FAC] =	sst s1  }
0xa: {  	[smem:$0x3FAD] =	sst s2  }
0xb: {  	[smem:$0x3FAE] =	sst s3  }
0xc: {  	[smem:$0x3FAF] =	sst s4  }
0xd: {  	[smem:$0x3FB0] =	sst s5  }
0xe: {  	[smem:$0x3FB1] =	sst s6  }
0xf: {  	[smem:$0x3FB2] =	sst s7  }
0x10: {  	[smem:$0x3FB3] =	sst s8  }
0x11: {  	[smem:$0x3FB4] =	sst s9;
	s0 =	simm.s32 @!p0 $0x0  }
0x12: {  	s1 =	sld [smem:$0x3F9A];
	s0 =	simm.s32 @p0 $0x1  }
0x13: {  	[smem:$0x3FB5] =	sst s0;
	s0 =	simm.s32 @!p1 $0x0  }
0x14: {  	s2 =	sld [smem:$0x3F99];
	s0 =	simm.s32 @p1 $0x1  }
0x15: {  	[smem:$0x3FB6] =	sst s0;
	s0 =	simm.s32 @!p2 $0x0  }
0x16: {  	s3 =	sld [smem:$0x3FDB];
	s0 =	simm.s32 @p2 $0x1  }
0x17: {  	s4 =	simm.s32 $0x1BF5;
	[smem:$0x3FB8] =	sst s0  }
0x18: {  	s0 =	sld [smem:$0x3F9B];
	_ =	swait.ge [sflag:s4], $0x0  }
0x19: {  	s7 =	sld [smem:$0x3F9C]  }
0x1a: {  	s8 =	sadd.s32 $0xFFFFE003, lr  }
0x1b: {  	s9 =	sadd.s32 $0xFFFFFEF7, lr;
	s5 =	simm.s32 $0xFFFFFFFF;
	p2 =	slt.u32 s8, $0xFFFFF086  }
0x1c: {  	p1 =	slt.u32 s9, $0xF7A;
	s5 =	simm.s32 @!p2 $0x0  }
0x1d: {  	s5 =	simm.s32 @p1 $0x1;
	p0 =	seq.s32 s7, s2  }
0x1e: {  	s7 =	smul.u32 @!p0 $0xF7A, s2;
	p2 =	seq.s32 @!p0 s5, $0x0  }
0x1f: {  	s9 =	smul.u32 $0xF7A, s1;
	s8 =	simm.s32 @!p0 $0x1BF5;
	p2 =	por !p2, p0  }
0x20: {  	[sflag:s8] =	ssyncset.s32 @!p0 $0xFFFFF086;
	s6 =	sadd.s32 @!p0 s3, s7;
	s7 =	simm.s32 @!p0 $0x108  }
0x21: {  	s3 =	sadd.s32 s3, s9;
	s6 =	sadd.s32 @!p0 $0x88, s6;
	s7 =	simm.s32 @p2 $0x1082  }
0x22: {  	[simem:s7], [sflag:s8] =	dma.local @!p0 [hbm:s6], $0xF7A  }
0x23: {  	s9 =	sor.u32 $0xD0000000, s2;
	s6 =	simm.s32 $0x108;
	_ =	swait.ge @!p0 [sflag:s8], $0x0  }
0x24: {  	s3 =	sadd.s32 $0x88, s3;
	s6 =	simm.s32 @!p1 $0x1082;
	[sflag:s4] =	ssyncset.s32 $0xFFFFF086  }
0x25: {  	[simem:s6], [sflag:s4] =	dma.local [hbm:s3], $0xF7A  }
0x26: {  	[smem:$0x3F9C] =	sst s1;
	(tag) =	ssettag s2;
	_ =	strace s9  }
0x27: {  	s1 =	sld [smem:$0x3FAC]  }
0x28: {  	s2 =	sld [smem:$0x3FAD]  }
0x29: {  	s4 =	sld [smem:$0x3FAF]  }
0x2a: {  	p0 =	seq.s32 s5, $0x0;
	s5 =	sld [smem:$0x3FB0]  }
0x2b: {  	s6 =	sld [smem:$0x3FB1]  }
0x2c: {  	s7 =	sld [smem:$0x3FB2]  }
0x2d: {  	s3 =	simm.s32 $0x108;
	s8 =	sld [smem:$0x3FB3]  }
0x2e: {  	s3 =	simm.s32 @!p0 $0x1082;
	s9 =	sld [smem:$0x3FB4]  }
0x2f: {  	lr =	sadd.s32 s0, s3;
	s0 =	sld [smem:$0x3FAB]  }
0x30: {  	s3 =	sld [smem:$0x3FAE]  }
0x31: {  	[smem:$0x3FB7] =	sst s10  }
0x32: {  	s10 =	sld [smem:$0x3FB5];
	_ =	sdelay $0x3  }
0x33: {  	p0 =	seq.s32 s10, $0x1;
	s10 =	sld [smem:$0x3FB7];
	_ =	sdelay $0x3  }
0x34: {  	[smem:$0x3FB7] =	sst s10  }
0x35: {  	s10 =	sld [smem:$0x3FB6];
	_ =	sdelay $0x3  }
0x36: {  	p1 =	seq.s32 s10, $0x1;
	s10 =	sld [smem:$0x3FB7];
	_ =	sdelay $0x3  }
0x37: {  	[smem:$0x3FB7] =	sst s10  }
0x38: {  	s10 =	sld [smem:$0x3FB8]  }
0x39: {  	_ = 	snop;
	(pc) =	sbr.ind lr, $3  }
0x3a: {  	_ = 	snop  }
0x3b: {  	_ = 	snop  }
0x3c: {  	p2 =	seq.s32 s10, $0x1;
	s10 =	sld [smem:$0x3FB7]  }
0x3d: {  	_ =	shalt  }
0x3e: {  	_ =	shalt  }
0x3f: {  	_ =	shalt  }
0x40: {  	_ =	shalt  }
0x41: {  	_ =	shalt  }
0x42: {  	_ =	shalt  }
0x43: {  	_ =	shalt  }
0x44: {  	_ =	shalt  }
0x45: {  	_ =	shalt  }
0x46: {  	_ =	shalt  }
0x47: {  	_ =	shalt  }
0x48: {  	_ =	shalt  }
0x49: {  	_ =	shalt  }
0x4a: {  	_ =	shalt  }
0x4b: {  	_ =	shalt  }
0x4c: {  	_ =	shalt  }
0x4d: {  	_ =	shalt  }
0x4e: {  	_ =	shalt  }
0x4f: {  	_ =	shalt  }
0x50: {  	_ =	shalt  }
0x51: {  	_ =	shalt  }
0x52: {  	_ =	shalt  }
0x53: {  	_ =	shalt  }
0x54: {  	_ =	shalt  }
0x55: {  	_ =	shalt  }
0x56: {  	_ =	shalt  }
0x57: {  	_ =	shalt  }
0x58: {  	_ =	shalt  }
0x59: {  	_ =	shalt  }
0x5a: {  	_ =	shalt  }
0x5b: {  	_ =	shalt  }
0x5c: {  	_ =	shalt  }
0x5d: {  	_ =	shalt  }
0x5e: {  	_ =	shalt  }
0x5f: {  	_ =	shalt  }
0x60: {  	_ =	shalt  }
0x61: {  	_ =	shalt  }
0x62: {  	_ =	shalt  }
0x63: {  	_ =	shalt  }
0x64: {  	_ =	shalt  }
0x65: {  	_ =	shalt  }
0x66: {  	_ =	shalt  }
0x67: {  	_ =	shalt  }
0x68: {  	_ =	shalt  }
0x69: {  	_ =	shalt  }
0x6a: {  	_ =	shalt  }
0x6b: {  	_ =	shalt  }
0x6c: {  	_ =	shalt  }
0x6d: {  	_ =	shalt  }
0x6e: {  	_ =	shalt  }
0x6f: {  	_ =	shalt  }
0x70: {  	_ =	shalt  }
0x71: {  	_ =	shalt  }
0x72: {  	_ =	shalt  }
0x73: {  	_ =	shalt  }
0x74: {  	_ =	shalt  }
0x75: {  	_ =	shalt  }
0x76: {  	_ =	shalt  }
0x77: {  	_ =	shalt  }
0x78: {  	_ =	shalt  }
0x79: {  	_ =	shalt  }
0x7a: {  	_ =	shalt  }
0x7b: {  	_ =	shalt  }
0x7c: {  	_ =	shalt  }
0x7d: {  	_ =	shalt  }
0x7e: {  	_ =	shalt  }
0x7f: {  	_ =	shalt  }
0x80: {  	_ =	shalt  }
0x81: {  	_ =	shalt  }
0x82: {  	_ =	shalt  }
0x83: {  	_ =	shalt  }
0x84: {  	_ =	shalt  }
0x85: {  	_ =	shalt  }
0x86: {  	_ =	shalt  }
0x87: {  	_ =	shalt  }
.Lfunc_end0:
.L_simem_size_0:
called_computation_lowered:
.L_overlay_start_0:
0x88: {  	s2 =	sld [smem:$0x3FD9]  }
0x89: {  	s3 =	sld [smem:$0x3FFE];
	_ =	sdelay $0x1  }
0x8a: {  	s1 =	srdreg.scid  }
0x8b: {  	s0 =	sand.u32 $0x1, s1  }
0x8c: {  	s17 =	sshll.u32 s0, $0xA;
	s2 =	sadd.s32 s3, s2  }
0x8d: {  	s2 =	sadd.s32 s2, s17  }
0x8e: {  	[smem:$0x3FC3] =	sst s2  }
0x8f: {  	_ = 	snop  }
0x90: {  	s2 =	sld [smem:$0x3FC9]  }
0x91: {  	s18 =	sld [smem:$0x3FD0];
	(tm) =	ssettm $0x1  }
0x92: {  	s4 =	sld [smem:$0x3FFB];
	_ =	sdelay $0x3  }
0x93: {  	_ =	strace s4  }
0x94: {  	s4 =	sld [smem:$0x3FFC];
	_ =	sdelay $0x3  }
0x95: {  	_ =	strace s4  }
0x96: {  	s4 =	sld [smem:$0x3FFD];
	_ =	sdelay $0x3  }
0x97: {  	_ =	strace s4  }
0x98: {  	_ =	strace $0x8FFFFFFF  }
0x99: {  	s19 =	sld [smem:$0x3FDB];
	_ =	sdelay $0x1  }
0x9a: {  	s5 =	simm.s32 $_scs_section_size  }
0x9b: {  	s6 =	simm.s32 $_size__tile_overlayer_lowered;
	s7 =	simm.s32 $_tile_overlayer_lowered  }
0x9c: {  	s22 =	simm.s32 $0x1BFF;
	s21 =	sshll.u32 s7, $0x1;
	s4 =	sadd.s32 s5, s19  }
0x9d: {  	s8 =	simm.s32 $0x0;
	s20 =	sshll.u32 s6, $0x1;
	s6 =	sadd.s32 s21, s4  }
0x9e: {  	[timem:s8], [sflag:s22] =	dma.local [hbm:s6], s20  }
0x9f: {  	_ =	swait.ge [sflag:s22], s20  }
0xa0: {  	s5 =	ssub.s32 $0x0, s20;
	[sflag:s22] =	ssyncset.done $0x0  }
0xa1: {  	[sflag:s22] =	ssyncadd.s32 s5;
	_ =	sdelay $0x1  }
0xa2: {  	s23 =	simm.s32 $0x1B8B  }
0xa3: {  	_ =	swait.ge [sflag:s23], $0x1  }
0xa4: {  	[sflag:s23] =	ssyncset.done $0x0  }
0xa5: {  	s25 =	simm.s32 $0x1B8E;
	s24 =	sld [smem:$0x3FFE];
	[sflag:s23] =	ssyncadd.s32 $0xFFFFFFFF  }
0xa6: {  	s26 =	simm.s32 $execute0_lowered;
	[smem:$0x3FD2] =	sst s25  }
0xa7: {  	s6 =	sshll.u32 s26, $0x1;
	_ =	strace $0x80000046;
	[dreg:$0x1] =	wrdreg $0xFFFFFFFF  }
0xa8: {  	s28 =	simm.s32 $_size_execute0_lowered;
	s4 =	sadd.s32 s4, s6;
	[dreg:$0x0] =	wrdreg $0x0  }
0xa9: {  	s6 =	sshll.u32 s28, $0x1;
	[dreg:$0x2] =	wrdreg s4  }
0xaa: {  	[dreg:$0x3] =	wrdreg s6  }
0xab: {  	[dreg:$0x4] =	wrdreg $0xC0  }
0xac: {  	_ =	task [dreg:s8], $0x5FFFF  }
0xad: {  	[dreg:$0x1] =	wrdreg $0xFFFFFFFF  }
0xae: {  	[dreg:$0x0] =	wrdreg $0x60  }
0xaf: {  	[dreg:$0x2] =	wrdreg s2  }
0xb0: {  	[dreg:$0x3] =	wrdreg s24  }
0xb1: {  	[dreg:$0x4] =	wrdreg s18  }
0xb2: {  	[dreg:$0x5] =	wrdreg $0x0  }
0xb3: {  	[dreg:$0x6] =	wrdreg $0x140000  }
0xb4: {  	[dreg:$0x7] =	wrdreg $0x9  }
0xb5: {  	_ =	task.clear_ibuf [dreg:s8], $0x8FFFF;
	_ =	strace $0x90000046  }
0xb6: {  	s29 =	simm.s32 $0x9;
	_ =	strace $0x80000048  }
0xb7: {  	_ =	swait.ge [sflag:s29], $0x1  }
0xb8: {  	[sflag:s29] =	ssyncadd.s32 $0xFFFFFFFF  }
0xb9: {  	_ =	strace $0x90000048  }
0xba: {  	_ =	sfence  }
0xbb: {  	s30 =	sld [smem:$0x0];
	_ =	sdelay $0x2  }
0xbc: {  	s31 =	sshll.u32 s1, $0xD;
	s1 =	sshrl.u32 s1, $0x2  }
0xbd: {  	s3 =	sand.u32 $0x4000, s31;
	s1 =	sadd.s32 s1, s30  }
0xbe: {  	s0 =	sor.u32 s3, s0;
	s1 =	sshll.u32 s1, $0x11  }
0xbf: {  	s0 =	sor.u32 s1, s0  }
0xc0: {  	s0 =	sadd.s32 $0x8F2B, s0  }
0xc1: {  	[sflag:s0] =	ssyncadd.remote.s32 $0x1  }
0xc2: {  	_ =	sfence.sel $0xFFFF  }
0xc3: {  	[dreg:$0x0] =	wrdreg $0xFFFFFFFF;
	(pc) =	sbr.abs _section_cstart, $3  }
0xc4: {  	[dreg:$0x1] =	wrdreg $0xFFFFFFFF  }
0xc5: {  	_ =	task.clear_ibuf [dreg:s8], $0x2FFFF;
	_ =	strace $0x9FFFFFFF  }
0xc6: {  	(tm) =	ssettm $0x7FFFFFFF  }
0xc7: {  	_ =	shalt  }
tec
execute0_lowered:
.L_overlay_start_1:
0x0: {  	(tag) =	ssettag $0x1  }
0x1: {  	s1 =	rddreg [dreg:$0x0]  }
0x2: {  	s0 =	rddreg [dreg:$0x1]  }
0x3: {  	s3 =	rddreg [dreg:$0x2]  }
0x4: {  	s4 =	rddreg [dreg:$0x3]  }
0x5: {  	s5 =	rddreg [dreg:$0x4];
	s2 =	srdreg.scid  }
0x6: {  	s14 =	stileid.u32;
	s6 =	simm.s32 $0x0;
	s2 =	sand.u32 $0x1, s2  }
0x7: {  	s9 =	smul.u32 $0x280, s14;
	[smem:$0x7FF] =	sst s6;
	s7 =	sshll.u32 s14, $0x8  }
0x8: {  	s8 =	sadd.s32 $0x1200, s0;
	s18 =	sshll.u32 s14, $0x1;
	s13 =	smul.u32 $0x50000, s14  }
0x9: {  	s20 =	sshll.u32 s14, $0xB;
	s10 =	smul.u32 $0x2800, s2;
	_ =	strace $0x80000047  }
0xa: {  	s11 =	sadd.s32 s7, s0;
	s7 =	sadd.s32 $0x15E00, s0;
	s21 =	sadd.s32 s20, s5  }
0xb: {  	s11 =	sadd.s32 $0x14E00, s11;
	[dreg:$0xb] =	wrdreg s21;
	s23 =	sshrl.u32 s13, $0x2  }
0xc: {  	s12 =	ssub.s32 $0x2, s2;
	[dreg:$0xa] =	wrdreg s11;
	s15 =	sadd.s32 s23, s4  }
0xd: {  	s19 =	sshrl.u32 s12, $0x1;
	s23 =	sadd.s32 $0xF000, s15;
	[dreg:$0xc] =	wrdreg s15  }
0xe: {  	s9 =	sadd.s32 s9, s10;
	s16 =	sadd.s32 $0x2800, s15;
	[dreg:$0x1c] =	wrdreg s23  }
0xf: {  	s10 =	sor.u32 s2, s18;
	s25 =	sadd.s32 $0x5000, s15;
	[dreg:$0xe] =	wrdreg s16  }
0x10: {  	s9 =	sshll.u32 s9, $0x4;
	s26 =	sadd.s32 $0x7800, s15;
	[dreg:$0xf] =	wrdreg s25  }
0x11: {  	s10 =	smul.u32 $0x4EC0, s10;
	s28 =	sadd.s32 $0xA000, s15;
	[dreg:$0x10] =	wrdreg s26  }
0x12: {  	s29 =	sadd.s32 $0xC800, s15;
	s0 =	sadd.s32 s9, s0;
	[dreg:$0x11] =	wrdreg s28  }
0x13: {  	s9 =	ssub.s32 s12, s19;
	[dreg:$0x1b] =	wrdreg s29;
	s10 =	sadd.s32 $0x78, s10  }
0x14: {  	s30 =	simm.s32 $0x14B00;
	s9 =	smax.u32 s9, $0x1;
	[dreg:$0x6] =	wrdreg s10  }
0x15: {  	s22 =	smul.u32 $0x9D80, s14;
	s11 =	sadd.s32 $0x29A00, s0;
	[dreg:$0xd] =	wrdreg s9  }
0x16: {  	s2 =	smul.u32 $0x4EC0, s2;
	s12 =	sadd.s32 $0x29F00, s0;
	[dreg:$0x12] =	wrdreg s11  }
0x17: {  	s31 =	simm.s32 $0x7;
	s14 =	sadd.s32 $0x2A400, s0;
	[dreg:$0x13] =	wrdreg s12  }
0x18: {  	s2 =	sadd.s32 s2, s22;
	s18 =	sadd.s32 $0x2A900, s0;
	[dreg:$0x14] =	wrdreg s14  }
0x19: {  	s23 =	simm.s32 $0x0;
	s19 =	sadd.s32 $0x2AE00, s0;
	[dreg:$0x15] =	wrdreg s18  }
0x1a: {  	s24 =	sshrl.u32 s2, $0x3;
	s20 =	sadd.s32 $0x2B300, s0;
	[dreg:$0x16] =	wrdreg s19  }
0x1b: {  	s21 =	sadd.s32 $0x2B800, s0;
	s0 =	sadd.s32 $0x2BD00, s0;
	[dreg:$0x17] =	wrdreg s20  }
0x1c: {  	s22 =	sadd.s32 $0x78, s2;
	s2 =	simm.s32 $0x14900;
	[dreg:$0x18] =	wrdreg s21  }
0x1d: {  	s13 =	sadd.s32 s24, s8;
	s17 =	sadd.s32 s24, s7;
	[dreg:$0x19] =	wrdreg s0  }
0x1e: {  	s9 =	sadd.s32 s24, s3;
	[dreg:$0x1a] =	wrdreg s22;
	s24 =	sadd.s32 $0x11800, s15  }
0x1f: {  	s0 =	simm.s32 $0x14800;
	s10 =	simm.s32 $0x78;
	[dreg:$0x7] =	wrdreg s13  }
0x20: {  	s12 =	simm.s32 $0x14880;
	s18 =	simm.s32 $0x14A80;
	[dreg:$0x8] =	wrdreg s17  }
0x21: {  	s19 =	simm.s32 $0x18700;
	s20 =	simm.s32 $0x1;
	[dreg:$0x9] =	wrdreg s9  }
0x22: {  	s21 =	simm.s32 $0x1C300;
	s22 =	simm.s32 $0x3;
	[dreg:$0x1d] =	wrdreg s24  }
0x23: {  	v0 =	vimm.f32 $0.0e+00;
	s9 =	simm.s32 $0x14A00;
	s17 =	simm.s32 $0x14980;
	s24 =	simm.s32 $0x6  }
.LBB2_1:
0x24: {  	s11 =	rddreg [dreg:$0xa]  }
0x25: {  	[tilespmem:s30], [sflag:$0x7] =	stream.linear.gather [hbm4b:s11+s6], $0x800, $0x38;
	[tilespmem:$0x1FF00] =	vst v63  }
0x26: {  	_ =	swait.ge [sflag:s31], $0x800  }
0x27: {  	[sflag:s31] =	ssyncset.done $0x0  }
0x28: {  	s14 =	rddreg [dreg:$0xb];
	[sflag:s31] =	ssyncadd.s32 $0xFFFFF800  }
0x29: {  	[spmem:s14] =	stream.linear.scatter [tilespmem:s30], [sflag:$0x7], $0x800, $0x38;
	[tilespmem:$0x1FF00] =	vst v63  }
0x2a: {  	_ =	swait.ge [sflag:s31], $0x800  }
0x2b: {  	[sflag:s31] =	ssyncset.done $0x0  }
0x2c: {  	s13 =	simm.s32 $0x70;
	s14 =	simm.s32 $0x3C0;
	[sflag:s31] =	ssyncadd.s32 $0xFFFFF800  }
.LBB2_2:
0x2d: {  	p0 =	sne.s32 s14, $0x9FC0;
	[tilespmem:s13+$0x14B00] =	vst v0  }
0x2e: {  	[tilespmem:s13+$0x14A90] =	vst v0  }
0x2f: {  	[tilespmem:s13+$0x14AA0] =	vst v0  }
.Ltmp0:
0x30: {  	[tilespmem:s13+$0x14AB0] =	vst v0;
	(pc) =	sbr.rel @p0 .LBB2_2-.Ltmp0, $4  }
0x31: {  	[tilespmem:s13+$0x14AC0] =	vst v0  }
0x32: {  	[tilespmem:s13+$0x14AD0] =	vst v0  }
0x33: {  	[tilespmem:s13+$0x14AE0] =	vst v0  }
0x34: {  	[tilespmem:s13+$0x14AF0] =	vst v0;
	s13 =	sshra.s32 s14, $0x2;
	s14 =	sadd.s32 $0x200, s14  }
0x35: {  	[tilespmem:s13+$0x14B00] =	vst v0  }
0x36: {  	[tilespmem:s13+$0x14A90] =	vst v0  }
0x37: {  	[tilespmem:s13+$0x14AA0] =	vst v0  }
0x38: {  	[tilespmem:s13+$0x14AB0] =	vst v0  }
0x39: {  	[tilespmem:s13+$0x14AC0] =	vst v0  }
0x3a: {  	[tilespmem:s13+$0x14AD0] =	vst v0  }
0x3b: {  	[tilespmem:s13+$0x14AE0] =	vst v0  }
0x3c: {  	[tilespmem:s13+$0x14AF0] =	vst v0  }
0x3d: {  	[spmem:s15] =	stream.linear.scatter [tilespmem:s30], [sflag:$0x7], $0x2800, $0x38;
	[tilespmem:$0x1FF00] =	vst v63  }
0x3e: {  	_ =	swait.ge [sflag:s31], $0x2800  }
0x3f: {  	[sflag:s31] =	ssyncset.done $0x0  }
0x40: {  	[sflag:s31] =	ssyncadd.s32 $0xFFFFD800  }
0x41: {  	[spmem:s16] =	stream.linear.scatter [tilespmem:s30], [sflag:$0x7], $0x2800, $0x38;
	[tilespmem:$0x1FF00] =	vst v63  }
0x42: {  	_ =	swait.ge [sflag:s31], $0x2800  }
0x43: {  	[sflag:s31] =	ssyncset.done $0x0  }
0x44: {  	[sflag:s31] =	ssyncadd.s32 $0xFFFFD800  }
0x45: {  	[spmem:s25] =	stream.linear.scatter [tilespmem:s30], [sflag:$0x7], $0x2800, $0x38;
	[tilespmem:$0x1FF00] =	vst v63  }
0x46: {  	_ =	swait.ge [sflag:s31], $0x2800  }
0x47: {  	[sflag:s31] =	ssyncset.done $0x0  }
0x48: {  	[sflag:s31] =	ssyncadd.s32 $0xFFFFD800  }
0x49: {  	[spmem:s26] =	stream.linear.scatter [tilespmem:s30], [sflag:$0x7], $0x2800, $0x38;
	[tilespmem:$0x1FF00] =	vst v63  }
0x4a: {  	_ =	swait.ge [sflag:s31], $0x2800  }
0x4b: {  	[sflag:s31] =	ssyncset.done $0x0  }
0x4c: {  	[sflag:s31] =	ssyncadd.s32 $0xFFFFD800  }
0x4d: {  	[spmem:s28] =	stream.linear.scatter [tilespmem:s30], [sflag:$0x7], $0x2800, $0x38;
	[tilespmem:$0x1FF00] =	vst v63  }
0x4e: {  	_ =	swait.ge [sflag:s31], $0x2800  }
0x4f: {  	[sflag:s31] =	ssyncset.done $0x0  }
0x50: {  	[sflag:s31] =	ssyncadd.s32 $0xFFFFD800  }
0x51: {  	[spmem:s29] =	stream.linear.scatter [tilespmem:s30], [sflag:$0x7], $0x2800, $0x38;
	[tilespmem:$0x1FF00] =	vst v63  }
0x52: {  	_ =	swait.ge [sflag:s31], $0x2800  }
0x53: {  	[sflag:s31] =	ssyncset.done $0x0  }
0x54: {  	s11 =	rddreg [dreg:$0x1c];
	[sflag:s31] =	ssyncadd.s32 $0xFFFFD800  }
0x55: {  	[spmem:s11] =	stream.linear.scatter [tilespmem:s30], [sflag:$0x7], $0x2800, $0x38;
	[tilespmem:$0x1FF00] =	vst v63  }
0x56: {  	_ =	swait.ge [sflag:s31], $0x2800  }
0x57: {  	[sflag:s31] =	ssyncset.done $0x0  }
0x58: {  	s13 =	rddreg [dreg:$0x1d];
	[sflag:s31] =	ssyncadd.s32 $0xFFFFD800  }
0x59: {  	[spmem:s13] =	stream.linear.scatter [tilespmem:s30], [sflag:$0x7], $0x2800, $0x38;
	[tilespmem:$0x1FF00] =	vst v63  }
0x5a: {  	_ =	swait.ge [sflag:s31], $0x2800  }
0x5b: {  	[sflag:s31] =	ssyncset.done $0x0  }
0x5c: {  	p0 =	por $0x1, $0x1;
	[sflag:s31] =	ssyncadd.s32 $0xFFFFD800  }
0x5d: {  	s13 =	simm.s32 @!p0 $0x4;
	[bflag:$0x0] =	sbarrier.arrive $0xFFFF  }
0x5e: {  	_ =	swait.ge @!p0 [sflag:s13], $0x3C00  }
0x5f: {  	s14 =	rddreg [dreg:$0x9];
	[sflag:s13] =	ssyncset.done @!p0 $0x0  }
0x60: {  	[sflag:s13] =	ssyncadd.s32 @!p0 $0xFFFFC400;
	s14 =	sadd.s32 $0x0, s14  }
0x61: {  	[tilespmem:s0], [sflag:$0x7] =	stream.linear.gather [hbm4b:s14+s6], $0x78, $0x38;
	[tilespmem:$0x1FF00] =	vst v63  }
0x62: {  	_ =	swait.ge [sflag:s31], $0x78  }
0x63: {  	s15 =	rddreg [dreg:$0x8];
	[sflag:s31] =	ssyncset.done $0x0  }
0x64: {  	[sflag:s31] =	ssyncadd.s32 $0xFFFFFF88;
	s13 =	sadd.s32 $0x0, s15  }
0x65: {  	[tilespmem:s2], [sflag:$0x7] =	stream.linear.gather [hbm4b:s13+s6], $0x78, $0x38;
	[tilespmem:$0x1FF00] =	vst v63  }
0x66: {  	_ =	swait.ge [sflag:s31], $0x78  }
0x67: {  	s16 =	rddreg [dreg:$0x7];
	[sflag:s31] =	ssyncset.done $0x0  }
0x68: {  	[sflag:s31] =	ssyncadd.s32 $0xFFFFFF88;
	s13 =	sadd.s32 $0x0, s16  }
0x69: {  	[tilespmem:s9], [sflag:$0x7] =	stream.linear.gather [hbm4b:s13+s6], $0x78, $0x38;
	[tilespmem:$0x1FF00] =	vst v63  }
0x6a: {  	_ =	swait.ge [sflag:s31], $0x78  }
0x6b: {  	[sflag:s31] =	ssyncset.done $0x0  }
0x6c: {  	s13 =	simm.s32 @!p0 $0x2;
	[sflag:s31] =	ssyncadd.s32 $0xFFFFFF88  }
0x6d: {  	[tilespmem:s30], [sflag:$0x1] =	stream.indirect.gather [hbm4b:s1+s10], $0x80, s0, s10, $0xb8;
	[tilespmem:$0x1FF00] =	vst v63  }
0x6e: {  	_ =	swait.ge @!p0 [sflag:s13], $0x3C00  }
0x6f: {  	s14 =	simm.s32 @!p0 $0x18700;
	s15 =	simm.s32 @!p0 $0x6;
	[sflag:s13] =	ssyncset.done @!p0 $0x0  }
0x70: {  	s16 =	simm.s32 @!p0 $0x14980;
	[sflag:s13] =	ssyncadd.s32 @!p0 $0xFFFFC400;
	s13 =	simm.s32 @!p0 $0x78  }
0x71: {  	[spmem:s4] =	stream.indirect.scatter.add.f32 @!p0 [tilespmem:s14], [sflag:$0x5], $0x80, s16, s13, $0xb8;
	[tilespmem:$0x1FF00] =	vst v63  }
0x72: {  	_ =	swait.ge @!p0 [sflag:s15], $0x3C00  }
0x73: {  	[sflag:s15] =	ssyncset.done @!p0 $0x0  }
0x74: {  	s26 =	simm.s32 @!p0 $0x1C300;
	s14 =	simm.s32 @!p0 $0x14A80;
	[sflag:s15] =	ssyncadd.s32 @!p0 $0xFFFFC400  }
0x75: {  	[tilespmem:s26], [sflag:$0x3] =	stream.indirect.gather @!p0 [spmem:s5], $0x80, s14, s13, $0xb8;
	[tilespmem:$0x1FF00] =	vst v63  }
0x76: {  	s14 =	simm.s32 @!p0 $0x3  }
0x77: {  	_ =	swait.ge @!p0 [sflag:s14], $0x3C00  }
0x78: {  	[sflag:s14] =	ssyncset.done @!p0 $0x0  }
0x79: {  	[sflag:s14] =	ssyncadd.s32 @!p0 $0xFFFFC400  }
0x7a: {  	[spmem:s4] =	stream.indirect.scatter.add.f32 @!p0 [tilespmem:s26], [sflag:$0x6], $0x80, s16, s13, $0xb8;
	[tilespmem:$0x1FF00] =	vst v63  }
0x7b: {  	s13 =	simm.s32 @!p0 $0x5  }
0x7c: {  	_ =	swait.ge @!p0 [sflag:s13], $0x3C00  }
0x7d: {  	s25 =	rddreg [dreg:$0x1a]  }
0x7e: {  	s14 =	rddreg [dreg:$0x6];
	s16 =	smov.u32 s25  }
0x7f: {  	s16 =	smov.u32 @p0 s14  }
0x80: {  	[sflag:s13] =	ssyncset.done @!p0 $0x0;
	s14 =	sshrl.u32 s16, $0x3  }
0x81: {  	[sflag:s13] =	ssyncadd.s32 @!p0 $0xFFFFC400;
	s26 =	sadd.s32 s3, s14  }
0x82: {  	[tilespmem:s12], [sflag:$0x7] =	stream.linear.gather [hbm4b:s26+s6], $0x78, $0x38;
	[tilespmem:$0x1FF00] =	vst v63  }
0x83: {  	_ =	swait.ge [sflag:s31], $0x78  }
0x84: {  	[sflag:s31] =	ssyncset.done $0x0  }
0x85: {  	s28 =	sadd.s32 s7, s14;
	[sflag:s31] =	ssyncadd.s32 $0xFFFFFF88  }
0x86: {  	[tilespmem:s17], [sflag:$0x7] =	stream.linear.gather [hbm4b:s28+s6], $0x78, $0x38;
	[tilespmem:$0x1FF00] =	vst v63  }
0x87: {  	_ =	swait.ge [sflag:s31], $0x78  }
0x88: {  	[sflag:s31] =	ssyncset.done $0x0  }
0x89: {  	s29 =	sadd.s32 s8, s14;
	[sflag:s31] =	ssyncadd.s32 $0xFFFFFF88  }
0x8a: {  	[tilespmem:s18], [sflag:$0x7] =	stream.linear.gather [hbm4b:s29+s6], $0x78, $0x38;
	[tilespmem:$0x1FF00] =	vst v63  }
0x8b: {  	_ =	swait.ge [sflag:s31], $0x78  }
0x8c: {  	[sflag:s31] =	ssyncset.done $0x0  }
0x8d: {  	[sflag:s31] =	ssyncadd.s32 $0xFFFFFF88  }
0x8e: {  	[tilespmem:s19], [sflag:$0x2] =	stream.indirect.gather [hbm4b:s1+s10], $0x80, s12, s10, $0xb8;
	[tilespmem:$0x1FF00] =	vst v63  }
0x8f: {  	_ =	swait.ge [sflag:s20], $0x3C00  }
0x90: {  	[sflag:s20] =	ssyncset.done $0x0  }
0x91: {  	[sflag:s20] =	ssyncadd.s32 $0xFFFFC400  }
0x92: {  	[spmem:s4] =	stream.indirect.scatter.add.f32 [tilespmem:s30], [sflag:$0x4], $0x80, s2, s10, $0xb8;
	[tilespmem:$0x1FF00] =	vst v63  }
0x93: {  	_ =	swait.ge @!p0 [sflag:s15], $0x3C00  }
0x94: {  	[sflag:s15] =	ssyncset.done @!p0 $0x0  }
0x95: {  	[sflag:s15] =	ssyncadd.s32 @!p0 $0xFFFFC400  }
0x96: {  	[tilespmem:s21], [sflag:$0x3] =	stream.indirect.gather [spmem:s5], $0x80, s9, s10, $0xb8;
	[tilespmem:$0x1FF00] =	vst v63  }
0x97: {  	s13 =	sadd.s32 $0xF0, s25;
	s14 =	simm.s32 $0x1E;
	_ =	swait.ge [sflag:s22], $0x3C00  }
0x98: {  	s15 =	simm.s32 $0x3C;
	p0 =	por $0x0, $0x0;
	[sflag:s22] =	ssyncset.done $0x0  }
.LBB2_4:
0x99: {  	s16 =	simm.s32 @!p0 $0x4;
	[sflag:s22] =	ssyncadd.s32 $0xFFFFC400  }
0x9a: {  	[spmem:s4] =	stream.indirect.scatter.add.f32 [tilespmem:s21], [sflag:$0x6], $0x80, s2, s10, $0xb8;
	[tilespmem:$0x1FF00] =	vst v63  }
0x9b: {  	_ =	swait.ge @!p0 [sflag:s16], $0x3C00  }
0x9c: {  	[sflag:s16] =	ssyncset.done @!p0 $0x0;
	s28 =	rddreg [dreg:$0x9]  }
0x9d: {  	[sflag:s16] =	ssyncadd.s32 @!p0 $0xFFFFC400;
	s11 =	sadd.s32 s14, s28  }
0x9e: {  	[tilespmem:s0], [sflag:$0x7] =	stream.linear.gather [hbm4b:s11+s6], $0x78, $0x38;
	[tilespmem:$0x1FF00] =	vst v63  }
0x9f: {  	_ =	swait.ge [sflag:s31], $0x78  }
0xa0: {  	s25 =	rddreg [dreg:$0x8];
	[sflag:s31] =	ssyncset.done $0x0  }
0xa1: {  	[sflag:s31] =	ssyncadd.s32 $0xFFFFFF88;
	s16 =	sadd.s32 s14, s25  }
0xa2: {  	[tilespmem:s2], [sflag:$0x7] =	stream.linear.gather [hbm4b:s16+s6], $0x78, $0x38;
	[tilespmem:$0x1FF00] =	vst v63  }
0xa3: {  	_ =	swait.ge [sflag:s31], $0x78  }
0xa4: {  	s28 =	rddreg [dreg:$0x7];
	[sflag:s31] =	ssyncset.done $0x0  }
0xa5: {  	[sflag:s31] =	ssyncadd.s32 $0xFFFFFF88;
	s16 =	sadd.s32 s14, s28  }
0xa6: {  	[tilespmem:s9], [sflag:$0x7] =	stream.linear.gather [hbm4b:s16+s6], $0x78, $0x38;
	[tilespmem:$0x1FF00] =	vst v63  }
0xa7: {  	_ =	swait.ge [sflag:s31], $0x78  }
0xa8: {  	s26 =	smov.u32 s15;
	[sflag:s31] =	ssyncset.done $0x0  }
0xa9: {  	s14 =	smov.u32 s26;
	s26 =	simm.s32 @!p0 $0x2;
	[sflag:s31] =	ssyncadd.s32 $0xFFFFFF88  }
0xaa: {  	[tilespmem:s30], [sflag:$0x1] =	stream.indirect.gather [hbm4b:s1+s10], $0x80, s0, s10, $0xb8;
	[tilespmem:$0x1FF00] =	vst v63  }
0xab: {  	_ =	swait.ge @!p0 [sflag:s26], $0x3C00  }
0xac: {  	s29 =	simm.s32 @!p0 $0x14980;
	s28 =	simm.s32 @!p0 $0x18700;
	[sflag:s26] =	ssyncset.done @!p0 $0x0  }
0xad: {  	s16 =	simm.s32 @!p0 $0x6;
	[sflag:s26] =	ssyncadd.s32 @!p0 $0xFFFFC400;
	s26 =	simm.s32 @!p0 $0x78  }
0xae: {  	[spmem:s4] =	stream.indirect.scatter.add.f32 @!p0 [tilespmem:s28], [sflag:$0x5], $0x80, s29, s26, $0xb8;
	[tilespmem:$0x1FF00] =	vst v63  }
0xaf: {  	_ =	swait.ge @!p0 [sflag:s16], $0x3C00  }
0xb0: {  	s11 =	simm.s32 @!p0 $0x1C300;
	[sflag:s16] =	ssyncset.done @!p0 $0x0  }
0xb1: {  	s25 =	simm.s32 @!p0 $0x14A80;
	s28 =	simm.s32 @!p0 $0x3;
	[sflag:s16] =	ssyncadd.s32 @!p0 $0xFFFFC400  }
0xb2: {  	[tilespmem:s11], [sflag:$0x3] =	stream.indirect.gather @!p0 [spmem:s5], $0x80, s25, s26, $0xb8;
	[tilespmem:$0x1FF00] =	vst v63  }
0xb3: {  	_ =	swait.ge @!p0 [sflag:s28], $0x3C00  }
0xb4: {  	[sflag:s28] =	ssyncset.done @!p0 $0x0  }
0xb5: {  	s25 =	simm.s32 @!p0 $0x5;
	[sflag:s28] =	ssyncadd.s32 @!p0 $0xFFFFC400  }
0xb6: {  	[spmem:s4] =	stream.indirect.scatter.add.f32 @!p0 [tilespmem:s11], [sflag:$0x6], $0x80, s29, s26, $0xb8;
	[tilespmem:$0x1FF00] =	vst v63  }
0xb7: {  	_ =	swait.ge @!p0 [sflag:s25], $0x3C00  }
0xb8: {  	[sflag:s25] =	ssyncset.done @!p0 $0x0  }
0xb9: {  	s11 =	rddreg [dreg:$0x6];
	[sflag:s25] =	ssyncadd.s32 @!p0 $0xFFFFC400;
	s25 =	smov.u32 s13  }
0xba: {  	s25 =	smov.u32 @p0 s11  }
0xbb: {  	s11 =	sshrl.u32 s25, $0x3  }
0xbc: {  	s25 =	sadd.s32 s3, s11  }
0xbd: {  	[tilespmem:s12], [sflag:$0x7] =	stream.linear.gather [hbm4b:s25+s6], $0x78, $0x38;
	[tilespmem:$0x1FF00] =	vst v63  }
0xbe: {  	_ =	swait.ge [sflag:s31], $0x78  }
0xbf: {  	[sflag:s31] =	ssyncset.done $0x0  }
0xc0: {  	s29 =	sadd.s32 s7, s11;
	[sflag:s31] =	ssyncadd.s32 $0xFFFFFF88  }
0xc1: {  	[tilespmem:s17], [sflag:$0x7] =	stream.linear.gather [hbm4b:s29+s6], $0x78, $0x38;
	[tilespmem:$0x1FF00] =	vst v63  }
0xc2: {  	_ =	swait.ge [sflag:s31], $0x78  }
0xc3: {  	[sflag:s31] =	ssyncset.done $0x0  }
0xc4: {  	s11 =	sadd.s32 s8, s11;
	[sflag:s31] =	ssyncadd.s32 $0xFFFFFF88  }
0xc5: {  	[tilespmem:s18], [sflag:$0x7] =	stream.linear.gather [hbm4b:s11+s6], $0x78, $0x38;
	[tilespmem:$0x1FF00] =	vst v63  }
0xc6: {  	_ =	swait.ge [sflag:s31], $0x78  }
0xc7: {  	[sflag:s31] =	ssyncset.done $0x0  }
0xc8: {  	[sflag:s31] =	ssyncadd.s32 $0xFFFFFF88  }
0xc9: {  	[tilespmem:s19], [sflag:$0x2] =	stream.indirect.gather [hbm4b:s1+s10], $0x80, s12, s10, $0xb8;
	[tilespmem:$0x1FF00] =	vst v63  }
0xca: {  	_ =	swait.ge [sflag:s20], $0x3C00  }
0xcb: {  	[sflag:s20] =	ssyncset.done $0x0  }
0xcc: {  	s15 =	sadd.s32 $0x1E, s15;
	[sflag:s20] =	ssyncadd.s32 $0xFFFFC400  }
0xcd: {  	[spmem:s4] =	stream.indirect.scatter.add.f32 [tilespmem:s30], [sflag:$0x4], $0x80, s2, s10, $0xb8;
	[tilespmem:$0x1FF00] =	vst v63  }
0xce: {  	p1 =	sne.s32 s15, $0x9D8;
	_ =	swait.ge @!p0 [sflag:s16], $0x3C00  }
.Ltmp1:
0xcf: {  	[sflag:s16] =	ssyncset.done @!p0 $0x0;
	(pc) =	sbr.rel @p1 .LBB2_4-.Ltmp1, $4  }
0xd0: {  	[sflag:s16] =	ssyncadd.s32 @!p0 $0xFFFFC400  }
0xd1: {  	[tilespmem:s21], [sflag:$0x3] =	stream.indirect.gather [spmem:s5], $0x80, s9, s10, $0xb8;
	[tilespmem:$0x1FF00] =	vst v63  }
0xd2: {  	_ =	swait.ge [sflag:s22], $0x3C00  }
0xd3: {  	s13 =	sadd.s32 $0xF0, s13;
	p0 =	seq.s32 s14, $0x0;
	[sflag:s22] =	ssyncset.done $0x0  }
0xd4: {  	s11 =	simm.s32 @!p0 $0x4;
	[sflag:s22] =	ssyncadd.s32 $0xFFFFC400  }
0xd5: {  	[spmem:s4] =	stream.indirect.scatter.add.f32 [tilespmem:s21], [sflag:$0x6], $0x80, s2, s10, $0xb8;
	[tilespmem:$0x1FF00] =	vst v63  }
0xd6: {  	_ =	swait.ge @!p0 [sflag:s11], $0x3C00  }
0xd7: {  	s15 =	rddreg [dreg:$0x9];
	[sflag:s11] =	ssyncset.done @!p0 $0x0  }
0xd8: {  	[sflag:s11] =	ssyncadd.s32 @!p0 $0xFFFFC400;
	s25 =	sadd.s32 s14, s15  }
0xd9: {  	[tilespmem:s0], [sflag:$0x7] =	stream.linear.gather [hbm4b:s25+s6], $0x78, $0x38;
	[tilespmem:$0x1FF00] =	vst v63  }
0xda: {  	_ =	swait.ge [sflag:s31], $0x78  }
0xdb: {  	s26 =	rddreg [dreg:$0x8];
	[sflag:s31] =	ssyncset.done $0x0  }
0xdc: {  	[sflag:s31] =	ssyncadd.s32 $0xFFFFFF88;
	s11 =	sadd.s32 s14, s26  }
0xdd: {  	[tilespmem:s2], [sflag:$0x7] =	stream.linear.gather [hbm4b:s11+s6], $0x78, $0x38;
	[tilespmem:$0x1FF00] =	vst v63  }
0xde: {  	_ =	swait.ge [sflag:s31], $0x78  }
0xdf: {  	s15 =	rddreg [dreg:$0x7];
	[sflag:s31] =	ssyncset.done $0x0  }
0xe0: {  	[sflag:s31] =	ssyncadd.s32 $0xFFFFFF88;
	s11 =	sadd.s32 s14, s15  }
0xe1: {  	[tilespmem:s9], [sflag:$0x7] =	stream.linear.gather [hbm4b:s11+s6], $0x78, $0x38;
	[tilespmem:$0x1FF00] =	vst v63  }
0xe2: {  	_ =	swait.ge [sflag:s31], $0x78  }
0xe3: {  	[sflag:s31] =	ssyncset.done $0x0  }
0xe4: {  	s11 =	simm.s32 @!p0 $0x2;
	[sflag:s31] =	ssyncadd.s32 $0xFFFFFF88  }
0xe5: {  	[tilespmem:s30], [sflag:$0x1] =	stream.indirect.gather [hbm4b:s1+s10], $0x80, s0, s10, $0xb8;
	[tilespmem:$0x1FF00] =	vst v63  }
0xe6: {  	_ =	swait.ge @!p0 [sflag:s11], $0x3C00  }
0xe7: {  	s16 =	simm.s32 @!p0 $0x14980;
	s14 =	simm.s32 @!p0 $0x18700;
	[sflag:s11] =	ssyncset.done @!p0 $0x0  }
0xe8: {  	s15 =	simm.s32 @!p0 $0x6;
	[sflag:s11] =	ssyncadd.s32 @!p0 $0xFFFFC400;
	s11 =	simm.s32 @!p0 $0x78  }
0xe9: {  	[spmem:s4] =	stream.indirect.scatter.add.f32 @!p0 [tilespmem:s14], [sflag:$0x5], $0x80, s16, s11, $0xb8;
	[tilespmem:$0x1FF00] =	vst v63  }
0xea: {  	_ =	swait.ge @!p0 [sflag:s15], $0x3C00  }
0xeb: {  	[sflag:s15] =	ssyncset.done @!p0 $0x0  }
0xec: {  	s25 =	simm.s32 @!p0 $0x1C300;
	s14 =	simm.s32 @!p0 $0x14A80;
	[sflag:s15] =	ssyncadd.s32 @!p0 $0xFFFFC400  }
0xed: {  	[tilespmem:s25], [sflag:$0x3] =	stream.indirect.gather @!p0 [spmem:s5], $0x80, s14, s11, $0xb8;
	[tilespmem:$0x1FF00] =	vst v63  }
0xee: {  	s14 =	simm.s32 @!p0 $0x3  }
0xef: {  	_ =	swait.ge @!p0 [sflag:s14], $0x3C00  }
0xf0: {  	[sflag:s14] =	ssyncset.done @!p0 $0x0  }
0xf1: {  	[sflag:s14] =	ssyncadd.s32 @!p0 $0xFFFFC400  }
0xf2: {  	[spmem:s4] =	stream.indirect.scatter.add.f32 @!p0 [tilespmem:s25], [sflag:$0x6], $0x80, s16, s11, $0xb8;
	[tilespmem:$0x1FF00] =	vst v63  }
0xf3: {  	s11 =	simm.s32 @!p0 $0x5  }
0xf4: {  	_ =	swait.ge @!p0 [sflag:s11], $0x3C00  }
0xf5: {  	s14 =	rddreg [dreg:$0x6]  }
0xf6: {  	s13 =	smov.u32 @p0 s14  }
0xf7: {  	[sflag:s11] =	ssyncset.done @!p0 $0x0;
	s13 =	sshrl.u32 s13, $0x3  }
0xf8: {  	[sflag:s11] =	ssyncadd.s32 @!p0 $0xFFFFC400;
	s16 =	sadd.s32 s3, s13  }
0xf9: {  	[tilespmem:s12], [sflag:$0x7] =	stream.linear.gather [hbm4b:s16+s6], $0x78, $0x38;
	[tilespmem:$0x1FF00] =	vst v63  }
0xfa: {  	_ =	swait.ge [sflag:s31], $0x78  }
0xfb: {  	[sflag:s31] =	ssyncset.done $0x0  }
0xfc: {  	s25 =	sadd.s32 s7, s13;
	[sflag:s31] =	ssyncadd.s32 $0xFFFFFF88  }
0xfd: {  	[tilespmem:s17], [sflag:$0x7] =	stream.linear.gather [hbm4b:s25+s6], $0x78, $0x38;
	[tilespmem:$0x1FF00] =	vst v63  }
0xfe: {  	_ =	swait.ge [sflag:s31], $0x78  }
0xff: {  	[sflag:s31] =	ssyncset.done $0x0  }
0x100: {  	s26 =	sadd.s32 s8, s13;
	[sflag:s31] =	ssyncadd.s32 $0xFFFFFF88  }
0x101: {  	[tilespmem:s18], [sflag:$0x7] =	stream.linear.gather [hbm4b:s26+s6], $0x78, $0x38;
	[tilespmem:$0x1FF00] =	vst v63  }
0x102: {  	_ =	swait.ge [sflag:s31], $0x78  }
0x103: {  	[sflag:s31] =	ssyncset.done $0x0  }
0x104: {  	[sflag:s31] =	ssyncadd.s32 $0xFFFFFF88  }
0x105: {  	[tilespmem:s19], [sflag:$0x2] =	stream.indirect.gather [hbm4b:s1+s10], $0x80, s12, s10, $0xb8;
	[tilespmem:$0x1FF00] =	vst v63  }
0x106: {  	_ =	swait.ge [sflag:s20], $0x3C00  }
0x107: {  	[sflag:s20] =	ssyncset.done $0x0  }
0x108: {  	[sflag:s20] =	ssyncadd.s32 $0xFFFFC400  }
0x109: {  	[spmem:s4] =	stream.indirect.scatter.add.f32 [tilespmem:s30], [sflag:$0x4], $0x80, s2, s10, $0xb8;
	[tilespmem:$0x1FF00] =	vst v63  }
0x10a: {  	_ =	swait.ge @!p0 [sflag:s15], $0x3C00  }
0x10b: {  	[sflag:s15] =	ssyncset.done @!p0 $0x0  }
0x10c: {  	[sflag:s15] =	ssyncadd.s32 @!p0 $0xFFFFC400  }
0x10d: {  	[tilespmem:s21], [sflag:$0x3] =	stream.indirect.gather [spmem:s5], $0x80, s9, s10, $0xb8;
	[tilespmem:$0x1FF00] =	vst v63  }
0x10e: {  	_ =	swait.ge [sflag:s22], $0x3C00  }
0x10f: {  	[sflag:s22] =	ssyncset.done $0x0  }
0x110: {  	s13 =	simm.s32 $0x2;
	[sflag:s22] =	ssyncadd.s32 $0xFFFFC400  }
0x111: {  	[spmem:s4] =	stream.indirect.scatter.add.f32 [tilespmem:s21], [sflag:$0x6], $0x80, s2, s10, $0xb8;
	[tilespmem:$0x1FF00] =	vst v63  }
0x112: {  	_ =	swait.ge [sflag:s13], $0x3C00  }
0x113: {  	[sflag:s13] =	ssyncset.done $0x0  }
0x114: {  	[sflag:s13] =	ssyncadd.s32 $0xFFFFC400  }
0x115: {  	[spmem:s4] =	stream.indirect.scatter.add.f32 [tilespmem:s19], [sflag:$0x5], $0x80, s17, s10, $0xb8;
	[tilespmem:$0x1FF00] =	vst v63  }
0x116: {  	_ =	swait.ge [sflag:s24], $0x3C00  }
0x117: {  	[sflag:s24] =	ssyncset.done $0x0  }
0x118: {  	[sflag:s24] =	ssyncadd.s32 $0xFFFFC400  }
0x119: {  	[tilespmem:s21], [sflag:$0x3] =	stream.indirect.gather [spmem:s5], $0x80, s18, s10, $0xb8;
	[tilespmem:$0x1FF00] =	vst v63  }
0x11a: {  	_ =	swait.ge [sflag:s22], $0x3C00  }
0x11b: {  	[sflag:s22] =	ssyncset.done $0x0  }
0x11c: {  	s14 =	simm.s32 $0x4;
	[sflag:s22] =	ssyncadd.s32 $0xFFFFC400  }
0x11d: {  	[spmem:s4] =	stream.indirect.scatter.add.f32 [tilespmem:s21], [sflag:$0x6], $0x80, s17, s10, $0xb8;
	[tilespmem:$0x1FF00] =	vst v63  }
0x11e: {  	_ =	swait.ge [sflag:s14], $0x3C00  }
0x11f: {  	[sflag:s14] =	ssyncset.done $0x0  }
0x120: {  	s15 =	simm.s32 $0x5;
	[sflag:s14] =	ssyncadd.s32 $0xFFFFC400  }
0x121: {  	_ =	swait.ge [sflag:s15], $0x3C00  }
0x122: {  	[sflag:s15] =	ssyncset.done $0x0  }
0x123: {  	[sflag:s15] =	ssyncadd.s32 $0xFFFFC400  }
0x124: {  	_ =	swait.ge [sflag:s24], $0x3C00  }
0x125: {  	[sflag:s24] =	ssyncset.done $0x0  }
0x126: {  	[sflag:s24] =	ssyncadd.s32 $0xFFFFC400  }
0x127: {  	[bflag:$0x0] =	sbarrier.arrive $0xFFFF  }
0x128: {  	s15 =	rddreg [dreg:$0xc]  }
0x129: {  	[tilespmem:s30], [sflag:$0x7] =	stream.linear.gather [spmem:s15], $0x2800, $0x38;
	[tilespmem:$0x1FF00] =	vst v63  }
0x12a: {  	_ =	swait.ge [sflag:s31], $0x2800  }
0x12b: {  	[sflag:s31] =	ssyncset.done $0x0  }
0x12c: {  	s16 =	rddreg [dreg:$0x12];
	[sflag:s31] =	ssyncadd.s32 $0xFFFFD800  }
0x12d: {  	[hbm4b:s16+s6] =	stream.linear.scatter [tilespmem:s30], [sflag:$0x7], $0x2800, $0x38;
	[tilespmem:$0x1FF00] =	vst v63  }
0x12e: {  	_ =	swait.ge [sflag:s31], $0x2800  }
0x12f: {  	[sflag:s31] =	ssyncset.done $0x0  }
0x130: {  	s16 =	rddreg [dreg:$0xe];
	[sflag:s31] =	ssyncadd.s32 $0xFFFFD800  }
0x131: {  	[tilespmem:s30], [sflag:$0x7] =	stream.linear.gather [spmem:s16], $0x2800, $0x38;
	[tilespmem:$0x1FF00] =	vst v63  }
0x132: {  	_ =	swait.ge [sflag:s31], $0x2800  }
0x133: {  	[sflag:s31] =	ssyncset.done $0x0  }
0x134: {  	s25 =	rddreg [dreg:$0x13];
	[sflag:s31] =	ssyncadd.s32 $0xFFFFD800  }
0x135: {  	[hbm4b:s25+s6] =	stream.linear.scatter [tilespmem:s30], [sflag:$0x7], $0x2800, $0x38;
	[tilespmem:$0x1FF00] =	vst v63  }
0x136: {  	_ =	swait.ge [sflag:s31], $0x2800  }
0x137: {  	[sflag:s31] =	ssyncset.done $0x0  }
0x138: {  	s25 =	rddreg [dreg:$0xf];
	[sflag:s31] =	ssyncadd.s32 $0xFFFFD800  }
0x139: {  	[tilespmem:s30], [sflag:$0x7] =	stream.linear.gather [spmem:s25], $0x2800, $0x38;
	[tilespmem:$0x1FF00] =	vst v63  }
0x13a: {  	_ =	swait.ge [sflag:s31], $0x2800  }
0x13b: {  	[sflag:s31] =	ssyncset.done $0x0  }
0x13c: {  	s26 =	rddreg [dreg:$0x14];
	[sflag:s31] =	ssyncadd.s32 $0xFFFFD800  }
0x13d: {  	[hbm4b:s26+s6] =	stream.linear.scatter [tilespmem:s30], [sflag:$0x7], $0x2800, $0x38;
	[tilespmem:$0x1FF00] =	vst v63  }
0x13e: {  	_ =	swait.ge [sflag:s31], $0x2800  }
0x13f: {  	[sflag:s31] =	ssyncset.done $0x0  }
0x140: {  	s26 =	rddreg [dreg:$0x10];
	[sflag:s31] =	ssyncadd.s32 $0xFFFFD800  }
0x141: {  	[tilespmem:s30], [sflag:$0x7] =	stream.linear.gather [spmem:s26], $0x2800, $0x38;
	[tilespmem:$0x1FF00] =	vst v63  }
0x142: {  	_ =	swait.ge [sflag:s31], $0x2800  }
0x143: {  	[sflag:s31] =	ssyncset.done $0x0  }
0x144: {  	s13 =	rddreg [dreg:$0x15];
	[sflag:s31] =	ssyncadd.s32 $0xFFFFD800  }
0x145: {  	[hbm4b:s13+s6] =	stream.linear.scatter [tilespmem:s30], [sflag:$0x7], $0x2800, $0x38;
	[tilespmem:$0x1FF00] =	vst v63  }
0x146: {  	_ =	swait.ge [sflag:s31], $0x2800  }
0x147: {  	[sflag:s31] =	ssyncset.done $0x0  }
0x148: {  	s28 =	rddreg [dreg:$0x11];
	[sflag:s31] =	ssyncadd.s32 $0xFFFFD800  }
0x149: {  	[tilespmem:s30], [sflag:$0x7] =	stream.linear.gather [spmem:s28], $0x2800, $0x38;
	[tilespmem:$0x1FF00] =	vst v63  }
0x14a: {  	_ =	swait.ge [sflag:s31], $0x2800  }
0x14b: {  	[sflag:s31] =	ssyncset.done $0x0  }
0x14c: {  	s14 =	rddreg [dreg:$0x16];
	[sflag:s31] =	ssyncadd.s32 $0xFFFFD800  }
0x14d: {  	[hbm4b:s14+s6] =	stream.linear.scatter [tilespmem:s30], [sflag:$0x7], $0x2800, $0x38;
	[tilespmem:$0x1FF00] =	vst v63  }
0x14e: {  	_ =	swait.ge [sflag:s31], $0x2800  }
0x14f: {  	[sflag:s31] =	ssyncset.done $0x0  }
0x150: {  	s29 =	rddreg [dreg:$0x1b];
	[sflag:s31] =	ssyncadd.s32 $0xFFFFD800  }
0x151: {  	[tilespmem:s30], [sflag:$0x7] =	stream.linear.gather [spmem:s29], $0x2800, $0x38;
	[tilespmem:$0x1FF00] =	vst v63  }
0x152: {  	_ =	swait.ge [sflag:s31], $0x2800  }
0x153: {  	[sflag:s31] =	ssyncset.done $0x0  }
0x154: {  	s13 =	rddreg [dreg:$0x17];
	[sflag:s31] =	ssyncadd.s32 $0xFFFFD800  }
0x155: {  	[hbm4b:s13+s6] =	stream.linear.scatter [tilespmem:s30], [sflag:$0x7], $0x2800, $0x38;
	[tilespmem:$0x1FF00] =	vst v63  }
0x156: {  	_ =	swait.ge [sflag:s31], $0x2800  }
0x157: {  	[sflag:s31] =	ssyncset.done $0x0  }
0x158: {  	s14 =	rddreg [dreg:$0x1c];
	[sflag:s31] =	ssyncadd.s32 $0xFFFFD800  }
0x159: {  	[tilespmem:s30], [sflag:$0x7] =	stream.linear.gather [spmem:s14], $0x2800, $0x38;
	[tilespmem:$0x1FF00] =	vst v63  }
0x15a: {  	_ =	swait.ge [sflag:s31], $0x2800  }
0x15b: {  	[sflag:s31] =	ssyncset.done $0x0  }
0x15c: {  	s13 =	rddreg [dreg:$0x18];
	[sflag:s31] =	ssyncadd.s32 $0xFFFFD800  }
0x15d: {  	[hbm4b:s13+s6] =	stream.linear.scatter [tilespmem:s30], [sflag:$0x7], $0x2800, $0x38;
	[tilespmem:$0x1FF00] =	vst v63  }
0x15e: {  	_ =	swait.ge [sflag:s31], $0x2800  }
0x15f: {  	[sflag:s31] =	ssyncset.done $0x0  }
0x160: {  	s14 =	rddreg [dreg:$0x1d];
	[sflag:s31] =	ssyncadd.s32 $0xFFFFD800  }
0x161: {  	[tilespmem:s30], [sflag:$0x7] =	stream.linear.gather [spmem:s14], $0x2800, $0x38;
	[tilespmem:$0x1FF00] =	vst v63  }
0x162: {  	_ =	swait.ge [sflag:s31], $0x2800  }
0x163: {  	[sflag:s31] =	ssyncset.done $0x0  }
0x164: {  	s13 =	rddreg [dreg:$0x19];
	[sflag:s31] =	ssyncadd.s32 $0xFFFFD800  }
0x165: {  	[hbm4b:s13+s6] =	stream.linear.scatter [tilespmem:s30], [sflag:$0x7], $0x2800, $0x38;
	[tilespmem:$0x1FF00] =	vst v63  }
0x166: {  	_ =	swait.ge [sflag:s31], $0x2800  }
0x167: {  	s23 =	sadd.s32 $0x1, s23;
	s14 =	rddreg [dreg:$0xd]  }
0x168: {  	p0 =	sne.s32 s23, s14  }
.Ltmp2:
0x169: {  	_ = 	snop;
	(pc) =	sbr.rel @p0 .LBB2_1-.Ltmp2, $3  }
0x16a: {  	_ =	sdelay $0x1  }
0x16b: {  	[sflag:s31] =	ssyncset.done $0x0  }
0x16c: {  	[sflag:s31] =	ssyncadd.s32 $0xFFFFD800  }
0x16d: {  	_ =	sfence.sel $0x180000  }
0x16e: {  	[bflag:$0x0] =	sbarrier.arrive $0xFFFF  }
0x16f: {  	_ =	strace $0x90000047  }
0x170: {  	s0 =	stileid.u32;
	[bflag:$0x2] =	sbarrier.arrive $0xFFFF  }
0x171: {  	p0 =	sne.s32 s0, $0x0;
	s0 =	rddreg [dreg:$0x5]  }
0x172: {  	s0 =	sadd.s32 @!p0 $0x100000, s0  }
0x173: {  	[sflag:s0] =	ssyncadd.tile.s32 @!p0 $0x1;
	_ =	shalt  }
.Lfunc_end2:
_tile_overlayer_lowered:
.L_overlay_start_2:
0x174: {  	(tag) =	ssettag $0x2  }
0x175: {  	s0 =	rddreg [dreg:$0x0];
	s2 =	stileid.u32  }
0x176: {  	s1 =	rddreg [dreg:$0x1];
	p0 =	sne.s32 s2, $0x0  }
0x177: {  	s3 =	rddreg [dreg:$0x2];
	[bflag:$0x3] =	sbarrier.arrive $0xFFFF;
	s2 =	simm.s32 @!p0 $0x1C07  }
0x178: {  	[timem:s3], [sflag:s2] =	dma.local @!p0 [hbm:s0], s1  }
0x179: {  	s0 =	simm.s32 @!p0 $0x7  }
0x17a: {  	_ =	swait.ge @!p0 [sflag:s0], s1  }
0x17b: {  	s1 =	ssub.s32 @!p0 $0x0, s1;
	[sflag:s0] =	ssyncset.done @!p0 $0x0  }
0x17c: {  	[sflag:s0] =	ssyncadd.s32 @!p0 s1  }
0x17d: {  	[bflag:$0x3] =	sbarrier.arrive $0xFFFF  }
0x17e: {  	_ =	shalt  }

</sc_bundles>
